<compile_context>
chip_gen: v7x
topology: tpu7x:2x2x1
jax: 0.10.2.dev20260603
libtpu: 0.0.44.dev20260713+nightly
codegen_flags: <defaults>
</compile_context>

<pallas_src>
import jax
import jax.numpy as jnp
from jax import lax
from jax.experimental import pallas as pl
from jax.experimental.pallas import tpu as pltpu
from jax.experimental.pallas import tpu_sc as plsc

N = 10000
D = 128
E_POS = 320000
E_NEG = 320000
E = E_POS + E_NEG

NC = 2
NS = 16
NW = NC * NS
L = 16

EDGES_PER_TILE = E // NW
CHUNK = 80
N_CHUNKS = EDGES_PER_TILE // CHUNK
PAIRS = N_CHUNKS // 2
GROUPS = CHUNK // L
P1_UNROLL = 4


def _sc_scores_body(h_hbm, src_hbm, dst_hbm, out_hbm,
                    idx_s_v, idx_d_v,
                    rows_s0, rows_d0, rows_s1, rows_d1,
                    partials_v, scores_v,
                    sem_s0, sem_d0, sem_s1, sem_d1):
    wid = lax.axis_index("s") * NC + lax.axis_index("c")
    tile_base = wid * EDGES_PER_TILE

    pltpu.sync_copy(src_hbm.at[pl.ds(tile_base, EDGES_PER_TILE)], idx_s_v)
    pltpu.sync_copy(dst_hbm.at[pl.ds(tile_base, EDGES_PER_TILE)], idx_d_v)

    def issue(c, rows_s, rows_d, sem_s, sem_d):
        off = c * CHUNK
        pltpu.async_copy(h_hbm.at[idx_s_v.at[pl.ds(off, CHUNK)]], rows_s, sem_s)
        pltpu.async_copy(h_hbm.at[idx_d_v.at[pl.ds(off, CHUNK)]], rows_d, sem_d)

    def wait(c, rows_s, rows_d, sem_s, sem_d):
        off = c * CHUNK
        pltpu.make_async_copy(
            h_hbm.at[idx_s_v.at[pl.ds(off, CHUNK)]], rows_s, sem_s).wait()
        pltpu.make_async_copy(
            h_hbm.at[idx_d_v.at[pl.ds(off, CHUNK)]], rows_d, sem_d).wait()

    def compute(c, rows_s, rows_d):
        score_base = c * CHUNK

        lane = lax.iota(jnp.int32, L)

        def p1_body(i, carry):
            for u in range(P1_UNROLL):
                ei = i * P1_UNROLL + u
                m0 = (rows_s[ei, pl.ds(0 * L, L)] * rows_d[ei, pl.ds(0 * L, L)]
                      + rows_s[ei, pl.ds(1 * L, L)] * rows_d[ei, pl.ds(1 * L, L)])
                m1 = (rows_s[ei, pl.ds(2 * L, L)] * rows_d[ei, pl.ds(2 * L, L)]
                      + rows_s[ei, pl.ds(3 * L, L)] * rows_d[ei, pl.ds(3 * L, L)])
                m2 = (rows_s[ei, pl.ds(4 * L, L)] * rows_d[ei, pl.ds(4 * L, L)]
                      + rows_s[ei, pl.ds(5 * L, L)] * rows_d[ei, pl.ds(5 * L, L)])
                m3 = (rows_s[ei, pl.ds(6 * L, L)] * rows_d[ei, pl.ds(6 * L, L)]
                      + rows_s[ei, pl.ds(7 * L, L)] * rows_d[ei, pl.ds(7 * L, L)])
                partials_v[ei, pl.ds(0, L)] = (m0 + m1) + (m2 + m3)
            return carry

        lax.fori_loop(0, CHUNK // P1_UNROLL, p1_body, 0)

        def p2_body(g, carry):
            row = g * L + lane
            acc = jnp.zeros((L,), jnp.float32)
            col = lane
            for _ in range(L):
                acc = acc + plsc.load_gather(partials_v, [row, col])
                col = (col + 1) & (L - 1)
            scores_v[pl.ds(score_base + g * L, L)] = acc
            return carry

        lax.fori_loop(0, GROUPS, p2_body, 0)

    issue(0, rows_s0, rows_d0, sem_s0, sem_d0)

    def pair_body(co, carry):
        a = 2 * co
        b = a + 1
        issue(b, rows_s1, rows_d1, sem_s1, sem_d1)
        wait(a, rows_s0, rows_d0, sem_s0, sem_d0)
        compute(a, rows_s0, rows_d0)

        @pl.when(co < PAIRS - 1)
        def _():
            issue(a + 2, rows_s0, rows_d0, sem_s0, sem_d0)

        wait(b, rows_s1, rows_d1, sem_s1, sem_d1)
        compute(b, rows_s1, rows_d1)
        return carry

    lax.fori_loop(0, PAIRS, pair_body, 0)
    pltpu.sync_copy(scores_v, out_hbm.at[pl.ds(tile_base, EDGES_PER_TILE)])


@jax.jit
def _sc_scores(h, src, dst):
    mesh = plsc.VectorSubcoreMesh(core_axis_name="c", subcore_axis_name="s")
    fn = pl.kernel(
        _sc_scores_body,
        mesh=mesh,
        compiler_params=pltpu.CompilerParams(needs_layout_passes=False),
        out_type=jax.ShapeDtypeStruct((E,), jnp.float32),
        scratch_types=[
            pltpu.VMEM((EDGES_PER_TILE,), jnp.int32),
            pltpu.VMEM((EDGES_PER_TILE,), jnp.int32),
            pltpu.VMEM((CHUNK, D), jnp.float32),
            pltpu.VMEM((CHUNK, D), jnp.float32),
            pltpu.VMEM((CHUNK, D), jnp.float32),
            pltpu.VMEM((CHUNK, D), jnp.float32),
            pltpu.VMEM((CHUNK, L), jnp.float32),
            pltpu.VMEM((EDGES_PER_TILE,), jnp.float32),
            pltpu.SemaphoreType.DMA,
            pltpu.SemaphoreType.DMA,
            pltpu.SemaphoreType.DMA,
            pltpu.SemaphoreType.DMA,
        ],
    )
    return fn(h, src, dst)


def _tc_loss_body(scores_ref, out_ref):
    s = scores_ref[...]
    rows = lax.broadcasted_iota(jnp.int32, s.shape, 0)
    label = (rows < (E_POS // 128)).astype(jnp.float32)
    terms = jnp.maximum(s, 0.0) - s * label + jnp.log1p(jnp.exp(-jnp.abs(s)))
    out_ref[0, 0] = jnp.sum(terms) * (1.0 / E)


@jax.jit
def _tc_loss(scores2d):
    return pl.pallas_call(
        _tc_loss_body,
        out_shape=jax.ShapeDtypeStruct((1, 1), jnp.float32),
        out_specs=pl.BlockSpec(memory_space=pltpu.SMEM),
    )(scores2d)


def kernel(block_outputs, pos_edge_index, neg_edge_index):
    src = jnp.concatenate([pos_edge_index[0], neg_edge_index[0]])
    dst = jnp.concatenate([pos_edge_index[1], neg_edge_index[1]])
    scores = _sc_scores(block_outputs, src, dst)
    loss = _tc_loss(scores.reshape(E // 128, 128))
    return loss[0, 0]

# --- scband reference (transcript-rebuilt; emitter-appended) ---
"""Pipeline reference for scband-cross-entropy-loss-6038724018390 (READ-ONLY COPY).

The authoritative reference and input builder live on the scoring server;
editing this copy changes nothing except your own understanding.
"""

import jax, jax.numpy as jnp
import numpy as np

N = 10000
D = 128
E_POS = 320000
E_NEG = 320000


def setup_inputs(seed: int = 0) -> dict:
    key = jax.random.key(seed)
    k1, k2, k3 = jax.random.split(key, 3)
    block_outputs = jax.random.normal(k1, (N, D), dtype=jnp.float32)
    pos_edge_index = jax.random.randint(k2, (2, E_POS), 0, N, dtype=jnp.int32)
    neg_edge_index = jax.random.randint(k3, (2, E_NEG), 0, N, dtype=jnp.int32)
    return {
        "block_outputs": block_outputs,
        "pos_edge_index": pos_edge_index,
        "neg_edge_index": neg_edge_index,
    }


def _u_dot_v(h, edge_index):
    # DGL fn.u_dot_v('h','h','score'): per-edge dot product of src and dst node features
    src = jnp.take(h, edge_index[0], axis=0)
    dst = jnp.take(h, edge_index[1], axis=0)
    return jnp.sum(src * dst, axis=1)


def reference(block_outputs, pos_edge_index, neg_edge_index):
    pos_score = _u_dot_v(block_outputs, pos_edge_index)
    neg_score = _u_dot_v(block_outputs, neg_edge_index)
    score = jnp.concatenate([pos_score, neg_score])
    label = jnp.concatenate([jnp.ones_like(pos_score), jnp.zeros_like(neg_score)])
    # binary_cross_entropy_with_logits, numerically stable form, mean reduction
    loss = jnp.mean(
        jnp.maximum(score, 0.0) - score * label + jnp.log1p(jnp.exp(-jnp.abs(score)))
    )
    return loss

if __name__ == "__main__":
    import jax
    _d = setup_inputs()
    print(jax.jit(kernel)(*tuple(_d.values())))

</pallas_src>

<mosaic_0001>
#map = affine_map<(d0, d1) -> (0, 0)>
#map1 = affine_map<(d0, d1) -> (0)>
module attributes {stable_mosaic.version = 14 : i64} {
  func.func @_sc_scores_body(%arg0: i32, %arg1: i32, %arg2: memref<10000x128xf32, #tpu.memory_space<hbm>>, %arg3: memref<640000xi32, #tpu.memory_space<hbm>>, %arg4: memref<640000xi32, #tpu.memory_space<hbm>>, %arg5: memref<640000xf32, #tpu.memory_space<hbm>>, %arg6: memref<20000xi32, #tpu.memory_space<vmem>>, %arg7: memref<20000xi32, #tpu.memory_space<vmem>>, %arg8: memref<80x128xf32, #tpu.memory_space<vmem>>, %arg9: memref<80x128xf32, #tpu.memory_space<vmem>>, %arg10: memref<80x128xf32, #tpu.memory_space<vmem>>, %arg11: memref<80x128xf32, #tpu.memory_space<vmem>>, %arg12: memref<80x16xf32, #tpu.memory_space<vmem>>, %arg13: memref<20000xf32, #tpu.memory_space<vmem>>, %arg14: memref<!tpu.dma_semaphore, #tpu.memory_space<semaphore_mem>>, %arg15: memref<!tpu.dma_semaphore, #tpu.memory_space<semaphore_mem>>, %arg16: memref<!tpu.dma_semaphore, #tpu.memory_space<semaphore_mem>>, %arg17: memref<!tpu.dma_semaphore, #tpu.memory_space<semaphore_mem>>) attributes {dimension_semantics = [#tpu.dimension_semantics<core_parallel>, #tpu.dimension_semantics<subcore_parallel>], iteration_bounds = array<i64: 2, 16>, scalar_prefetch = 0 : i64, scratch_operands = 12 : i64, tpu.core_type = #tpu.core_type<sc_vector_subcore>, window_params = [{transform_indices = #map}, {transform_indices = #map1}, {transform_indices = #map1}, {transform_indices = #map1}]} {
    %mul3A = arith.constant 2 : i32
    %mul3A_0 = arith.muli %arg1, %mul3A : i32
    %add3A = arith.addi %mul3A_0, %arg0 : i32
    %mul3A_1 = arith.constant 20000 : i32
    %mul3A_2 = arith.muli %add3A, %mul3A_1 : i32
    "tpu.region"() ({
      %run_scoped3A = tpu.sem_alloc : memref<!tpu.dma_semaphore, #tpu.memory_space<semaphore_mem>>
      %dma_start3A_17 = tpu.memref_slice %arg3[%mul3A_2] : memref<640000xi32, #tpu.memory_space<hbm>> -> memref<20000xi32, #tpu.memory_space<hbm>>
      %dma_start3A_18 = tpu.memref_slice %arg3[%mul3A_2] : memref<640000xi32, #tpu.memory_space<hbm>> -> memref<20000xi32, #tpu.memory_space<hbm>>
      tpu.enqueue_dma source(%dma_start3A_18 : memref<20000xi32, #tpu.memory_space<hbm>>) target(%arg6 : memref<20000xi32, #tpu.memory_space<vmem>>) target_semaphore(%run_scoped3A : memref<!tpu.dma_semaphore, #tpu.memory_space<semaphore_mem>>)
      %dma_wait3A = tpu.memref_slice %arg3[%mul3A_2] : memref<640000xi32, #tpu.memory_space<hbm>> -> memref<20000xi32, #tpu.memory_space<hbm>>
      %dma_wait3A_19 = tpu.memref_slice %arg3[%mul3A_2] : memref<640000xi32, #tpu.memory_space<hbm>> -> memref<20000xi32, #tpu.memory_space<hbm>>
      tpu.wait_dma2 semaphore(%run_scoped3A : memref<!tpu.dma_semaphore, #tpu.memory_space<semaphore_mem>>) src(%dma_wait3A_19 : memref<20000xi32, #tpu.memory_space<hbm>>) dst(%arg6 : memref<20000xi32, #tpu.memory_space<vmem>>)
      tpu.yield
    }) : () -> ()
    "tpu.region"() ({
      %run_scoped3A = tpu.sem_alloc : memref<!tpu.dma_semaphore, #tpu.memory_space<semaphore_mem>>
      %dma_start3A_17 = tpu.memref_slice %arg4[%mul3A_2] : memref<640000xi32, #tpu.memory_space<hbm>> -> memref<20000xi32, #tpu.memory_space<hbm>>
      %dma_start3A_18 = tpu.memref_slice %arg4[%mul3A_2] : memref<640000xi32, #tpu.memory_space<hbm>> -> memref<20000xi32, #tpu.memory_space<hbm>>
      tpu.enqueue_dma source(%dma_start3A_18 : memref<20000xi32, #tpu.memory_space<hbm>>) target(%arg7 : memref<20000xi32, #tpu.memory_space<vmem>>) target_semaphore(%run_scoped3A : memref<!tpu.dma_semaphore, #tpu.memory_space<semaphore_mem>>)
      %dma_wait3A = tpu.memref_slice %arg4[%mul3A_2] : memref<640000xi32, #tpu.memory_space<hbm>> -> memref<20000xi32, #tpu.memory_space<hbm>>
      %dma_wait3A_19 = tpu.memref_slice %arg4[%mul3A_2] : memref<640000xi32, #tpu.memory_space<hbm>> -> memref<20000xi32, #tpu.memory_space<hbm>>
      tpu.wait_dma2 semaphore(%run_scoped3A : memref<!tpu.dma_semaphore, #tpu.memory_space<semaphore_mem>>) src(%dma_wait3A_19 : memref<20000xi32, #tpu.memory_space<hbm>>) dst(%arg7 : memref<20000xi32, #tpu.memory_space<vmem>>)
      tpu.yield
    }) : () -> ()
    %dma_start3A = arith.constant 0 : i32
    %dma_start3A_3 = tpu.memref_slice %arg6[%dma_start3A] : memref<20000xi32, #tpu.memory_space<vmem>> -> memref<80xi32, #tpu.memory_space<vmem>>
    %dma_start3A_4 = arith.constant 0 : i32
    %dma_start3A_5 = arith.constant 0 : i32
    %dma_start3A_6 = tpu.memref_slice %arg2[%dma_start3A_4, %dma_start3A_5] : memref<10000x128xf32, #tpu.memory_space<hbm>> -> memref<10000x128xf32, #tpu.memory_space<hbm>>
    tpu.enqueue_indirect_dma source(%dma_start3A_6 : memref<10000x128xf32, #tpu.memory_space<hbm>>) target(%arg8 : memref<80x128xf32, #tpu.memory_space<vmem>>) offsets(%dma_start3A_3 : memref<80xi32, #tpu.memory_space<vmem>>) semaphore(%arg14 : memref<!tpu.dma_semaphore, #tpu.memory_space<semaphore_mem>>)
    %dma_start3A_7 = arith.constant 0 : i32
    %dma_start3A_8 = tpu.memref_slice %arg7[%dma_start3A_7] : memref<20000xi32, #tpu.memory_space<vmem>> -> memref<80xi32, #tpu.memory_space<vmem>>
    %dma_start3A_9 = arith.constant 0 : i32
    %dma_start3A_10 = arith.constant 0 : i32
    %dma_start3A_11 = tpu.memref_slice %arg2[%dma_start3A_9, %dma_start3A_10] : memref<10000x128xf32, #tpu.memory_space<hbm>> -> memref<10000x128xf32, #tpu.memory_space<hbm>>
    tpu.enqueue_indirect_dma source(%dma_start3A_11 : memref<10000x128xf32, #tpu.memory_space<hbm>>) target(%arg9 : memref<80x128xf32, #tpu.memory_space<vmem>>) offsets(%dma_start3A_8 : memref<80xi32, #tpu.memory_space<vmem>>) semaphore(%arg15 : memref<!tpu.dma_semaphore, #tpu.memory_space<semaphore_mem>>)
    %scan3A = arith.constant 0 : i32
    %scan3A_12 = arith.constant 0 : i32
    %scan3A_13 = arith.constant 125 : i32
    %scan3A_14 = arith.addi %scan3A_12, %scan3A_13 : i32
    %scan3A_15 = arith.constant 1 : i32
    scf.for %scan3A_17 = %scan3A_12 to %scan3A_14 step %scan3A_15  : i32 {
      %mul3A_18 = arith.constant 2 : i32
      %mul3A_19 = arith.muli %mul3A_18, %scan3A_17 : i32
      %add3A_20 = arith.constant 1 : i32
      %add3A_21 = arith.addi %mul3A_19, %add3A_20 : i32
      %mul3A_22 = arith.constant 80 : i32
      %mul3A_23 = arith.muli %add3A_21, %mul3A_22 : i32
      %dma_start3A_24 = tpu.memref_slice %arg6[%mul3A_23] : memref<20000xi32, #tpu.memory_space<vmem>> -> memref<80xi32, #tpu.memory_space<vmem>>
      %dma_start3A_25 = arith.constant 0 : i32
      %dma_start3A_26 = arith.constant 0 : i32
      %dma_start3A_27 = tpu.memref_slice %arg2[%dma_start3A_25, %dma_start3A_26] : memref<10000x128xf32, #tpu.memory_space<hbm>> -> memref<10000x128xf32, #tpu.memory_space<hbm>>
      tpu.enqueue_indirect_dma source(%dma_start3A_27 : memref<10000x128xf32, #tpu.memory_space<hbm>>) target(%arg10 : memref<80x128xf32, #tpu.memory_space<vmem>>) offsets(%dma_start3A_24 : memref<80xi32, #tpu.memory_space<vmem>>) semaphore(%arg16 : memref<!tpu.dma_semaphore, #tpu.memory_space<semaphore_mem>>)
      %dma_start3A_28 = tpu.memref_slice %arg7[%mul3A_23] : memref<20000xi32, #tpu.memory_space<vmem>> -> memref<80xi32, #tpu.memory_space<vmem>>
      %dma_start3A_29 = arith.constant 0 : i32
      %dma_start3A_30 = arith.constant 0 : i32
      %dma_start3A_31 = tpu.memref_slice %arg2[%dma_start3A_29, %dma_start3A_30] : memref<10000x128xf32, #tpu.memory_space<hbm>> -> memref<10000x128xf32, #tpu.memory_space<hbm>>
      tpu.enqueue_indirect_dma source(%dma_start3A_31 : memref<10000x128xf32, #tpu.memory_space<hbm>>) target(%arg11 : memref<80x128xf32, #tpu.memory_space<vmem>>) offsets(%dma_start3A_28 : memref<80xi32, #tpu.memory_space<vmem>>) semaphore(%arg17 : memref<!tpu.dma_semaphore, #tpu.memory_space<semaphore_mem>>)
      %mul3A_32 = arith.constant 80 : i32
      %mul3A_33 = arith.muli %mul3A_19, %mul3A_32 : i32
      %dma_wait3A = tpu.memref_slice %arg6[%mul3A_33] : memref<20000xi32, #tpu.memory_space<vmem>> -> memref<80xi32, #tpu.memory_space<vmem>>
      %dma_wait3A_34 = arith.constant 0 : i32
      %dma_wait3A_35 = arith.constant 0 : i32
      %dma_wait3A_36 = tpu.memref_slice %arg2[%dma_wait3A_34, %dma_wait3A_35] : memref<10000x128xf32, #tpu.memory_space<hbm>> -> memref<10000x128xf32, #tpu.memory_space<hbm>>
      tpu.wait_indirect_dma semaphore(%arg14 : memref<!tpu.dma_semaphore, #tpu.memory_space<semaphore_mem>>) src(%dma_wait3A_36 : memref<10000x128xf32, #tpu.memory_space<hbm>>) dst(%arg8 : memref<80x128xf32, #tpu.memory_space<vmem>>)
      %dma_wait3A_37 = tpu.memref_slice %arg7[%mul3A_33] : memref<20000xi32, #tpu.memory_space<vmem>> -> memref<80xi32, #tpu.memory_space<vmem>>
      %dma_wait3A_38 = arith.constant 0 : i32
      %dma_wait3A_39 = arith.constant 0 : i32
      %dma_wait3A_40 = tpu.memref_slice %arg2[%dma_wait3A_38, %dma_wait3A_39] : memref<10000x128xf32, #tpu.memory_space<hbm>> -> memref<10000x128xf32, #tpu.memory_space<hbm>>
      tpu.wait_indirect_dma semaphore(%arg15 : memref<!tpu.dma_semaphore, #tpu.memory_space<semaphore_mem>>) src(%dma_wait3A_40 : memref<10000x128xf32, #tpu.memory_space<hbm>>) dst(%arg9 : memref<80x128xf32, #tpu.memory_space<vmem>>)
      %mul3A_41 = arith.constant 80 : i32
      %mul3A_42 = arith.muli %mul3A_19, %mul3A_41 : i32
      %iota3A = tpu.iota {dimensions = array<i32: 0>} : vector<16xi32>
      %scan3A_43 = arith.constant 0 : i32
      %scan3A_44 = arith.constant 0 : i32
      %scan3A_45 = arith.constant 20 : i32
      %scan3A_46 = arith.addi %scan3A_44, %scan3A_45 : i32
      %scan3A_47 = arith.constant 1 : i32
      scf.for %scan3A_82 = %scan3A_44 to %scan3A_46 step %scan3A_47  : i32 {
        %mul3A_83 = arith.constant 4 : i32
        %mul3A_84 = arith.muli %scan3A_82, %mul3A_83 : i32
        %add3A_85 = arith.constant 0 : i32
        %add3A_86 = arith.addi %mul3A_84, %add3A_85 : i32
        %get3A = arith.index_cast %add3A_86 : i32 to index
        %get3A_87 = arith.constant 0 : index
        %get3A_88 = tpu.vector_load %arg8[%get3A, %get3A_87] {strides = array<i32>} : memref<80x128xf32, #tpu.memory_space<vmem>>, vector<16xf32>,
        %get3A_89 = arith.index_cast %add3A_86 : i32 to index
        %get3A_90 = arith.constant 0 : index
        %get3A_91 = tpu.vector_load %arg9[%get3A_89, %get3A_90] {strides = array<i32>} : memref<80x128xf32, #tpu.memory_space<vmem>>, vector<16xf32>,
        %mul3A_92 = arith.mulf %get3A_88, %get3A_91 : vector<16xf32>
        %get3A_93 = arith.index_cast %add3A_86 : i32 to index
        %get3A_94 = arith.constant 16 : index
        %get3A_95 = tpu.vector_load %arg8[%get3A_93, %get3A_94] {strides = array<i32>} : memref<80x128xf32, #tpu.memory_space<vmem>>, vector<16xf32>,
        %get3A_96 = arith.index_cast %add3A_86 : i32 to index
        %get3A_97 = arith.constant 16 : index
        %get3A_98 = tpu.vector_load %arg9[%get3A_96, %get3A_97] {strides = array<i32>} : memref<80x128xf32, #tpu.memory_space<vmem>>, vector<16xf32>,
        %mul3A_99 = arith.mulf %get3A_95, %get3A_98 : vector<16xf32>
        %add3A_100 = arith.addf %mul3A_92, %mul3A_99 : vector<16xf32>
        %get3A_101 = arith.index_cast %add3A_86 : i32 to index
        %get3A_102 = arith.constant 32 : index
        %get3A_103 = tpu.vector_load %arg8[%get3A_101, %get3A_102] {strides = array<i32>} : memref<80x128xf32, #tpu.memory_space<vmem>>, vector<16xf32>,
        %get3A_104 = arith.index_cast %add3A_86 : i32 to index
        %get3A_105 = arith.constant 32 : index
        %get3A_106 = tpu.vector_load %arg9[%get3A_104, %get3A_105] {strides = array<i32>} : memref<80x128xf32, #tpu.memory_space<vmem>>, vector<16xf32>,
        %mul3A_107 = arith.mulf %get3A_103, %get3A_106 : vector<16xf32>
        %get3A_108 = arith.index_cast %add3A_86 : i32 to index
        %get3A_109 = arith.constant 48 : index
        %get3A_110 = tpu.vector_load %arg8[%get3A_108, %get3A_109] {strides = array<i32>} : memref<80x128xf32, #tpu.memory_space<vmem>>, vector<16xf32>,
        %get3A_111 = arith.index_cast %add3A_86 : i32 to index
        %get3A_112 = arith.constant 48 : index
        %get3A_113 = tpu.vector_load %arg9[%get3A_111, %get3A_112] {strides = array<i32>} : memref<80x128xf32, #tpu.memory_space<vmem>>, vector<16xf32>,
        %mul3A_114 = arith.mulf %get3A_110, %get3A_113 : vector<16xf32>
        %add3A_115 = arith.addf %mul3A_107, %mul3A_114 : vector<16xf32>
        %get3A_116 = arith.index_cast %add3A_86 : i32 to index
        %get3A_117 = arith.constant 64 : index
        %get3A_118 = tpu.vector_load %arg8[%get3A_116, %get3A_117] {strides = array<i32>} : memref<80x128xf32, #tpu.memory_space<vmem>>, vector<16xf32>,
        %get3A_119 = arith.index_cast %add3A_86 : i32 to index
        %get3A_120 = arith.constant 64 : index
        %get3A_121 = tpu.vector_load %arg9[%get3A_119, %get3A_120] {strides = array<i32>} : memref<80x128xf32, #tpu.memory_space<vmem>>, vector<16xf32>,
        %mul3A_122 = arith.mulf %get3A_118, %get3A_121 : vector<16xf32>
        %get3A_123 = arith.index_cast %add3A_86 : i32 to index
        %get3A_124 = arith.constant 80 : index
        %get3A_125 = tpu.vector_load %arg8[%get3A_123, %get3A_124] {strides = array<i32>} : memref<80x128xf32, #tpu.memory_space<vmem>>, vector<16xf32>,
        %get3A_126 = arith.index_cast %add3A_86 : i32 to index
        %get3A_127 = arith.constant 80 : index
        %get3A_128 = tpu.vector_load %arg9[%get3A_126, %get3A_127] {strides = array<i32>} : memref<80x128xf32, #tpu.memory_space<vmem>>, vector<16xf32>,
        %mul3A_129 = arith.mulf %get3A_125, %get3A_128 : vector<16xf32>
        %add3A_130 = arith.addf %mul3A_122, %mul3A_129 : vector<16xf32>
        %get3A_131 = arith.index_cast %add3A_86 : i32 to index
        %get3A_132 = arith.constant 96 : index
        %get3A_133 = tpu.vector_load %arg8[%get3A_131, %get3A_132] {strides = array<i32>} : memref<80x128xf32, #tpu.memory_space<vmem>>, vector<16xf32>,
        %get3A_134 = arith.index_cast %add3A_86 : i32 to index
        %get3A_135 = arith.constant 96 : index
        %get3A_136 = tpu.vector_load %arg9[%get3A_134, %get3A_135] {strides = array<i32>} : memref<80x128xf32, #tpu.memory_space<vmem>>, vector<16xf32>,
        %mul3A_137 = arith.mulf %get3A_133, %get3A_136 : vector<16xf32>
        %get3A_138 = arith.index_cast %add3A_86 : i32 to index
        %get3A_139 = arith.constant 112 : index
        %get3A_140 = tpu.vector_load %arg8[%get3A_138, %get3A_139] {strides = array<i32>} : memref<80x128xf32, #tpu.memory_space<vmem>>, vector<16xf32>,
        %get3A_141 = arith.index_cast %add3A_86 : i32 to index
        %get3A_142 = arith.constant 112 : index
        %get3A_143 = tpu.vector_load %arg9[%get3A_141, %get3A_142] {strides = array<i32>} : memref<80x128xf32, #tpu.memory_space<vmem>>, vector<16xf32>,
        %mul3A_144 = arith.mulf %get3A_140, %get3A_143 : vector<16xf32>
        %add3A_145 = arith.addf %mul3A_137, %mul3A_144 : vector<16xf32>
        %add3A_146 = arith.addf %add3A_100, %add3A_115 : vector<16xf32>
        %add3A_147 = arith.addf %add3A_130, %add3A_145 : vector<16xf32>
        %add3A_148 = arith.addf %add3A_146, %add3A_147 : vector<16xf32>
        %swap3A = arith.index_cast %add3A_86 : i32 to index
        %swap3A_149 = arith.constant 0 : index
        %swap3A_150 = tpu.vector_load %arg12[%swap3A, %swap3A_149] {strides = array<i32>} : memref<80x16xf32, #tpu.memory_space<vmem>>, vector<16xf32>,
        tpu.vector_store %arg12[%swap3A, %swap3A_149], %add3A_148 {strides = array<i32>} : memref<80x16xf32, #tpu.memory_space<vmem>>, vector<16xf32>,
        %mul3A_151 = arith.constant 4 : i32
        %mul3A_152 = arith.muli %scan3A_82, %mul3A_151 : i32
        %add3A_153 = arith.constant 1 : i32
        %add3A_154 = arith.addi %mul3A_152, %add3A_153 : i32
        %get3A_155 = arith.index_cast %add3A_154 : i32 to index
        %get3A_156 = arith.constant 0 : index
        %get3A_157 = tpu.vector_load %arg8[%get3A_155, %get3A_156] {strides = array<i32>} : memref<80x128xf32, #tpu.memory_space<vmem>>, vector<16xf32>,
        %get3A_158 = arith.index_cast %add3A_154 : i32 to index
        %get3A_159 = arith.constant 0 : index
        %get3A_160 = tpu.vector_load %arg9[%get3A_158, %get3A_159] {strides = array<i32>} : memref<80x128xf32, #tpu.memory_space<vmem>>, vector<16xf32>,
        %mul3A_161 = arith.mulf %get3A_157, %get3A_160 : vector<16xf32>
        %get3A_162 = arith.index_cast %add3A_154 : i32 to index
        %get3A_163 = arith.constant 16 : index
        %get3A_164 = tpu.vector_load %arg8[%get3A_162, %get3A_163] {strides = array<i32>} : memref<80x128xf32, #tpu.memory_space<vmem>>, vector<16xf32>,
        %get3A_165 = arith.index_cast %add3A_154 : i32 to index
        %get3A_166 = arith.constant 16 : index
        %get3A_167 = tpu.vector_load %arg9[%get3A_165, %get3A_166] {strides = array<i32>} : memref<80x128xf32, #tpu.memory_space<vmem>>, vector<16xf32>,
        %mul3A_168 = arith.mulf %get3A_164, %get3A_167 : vector<16xf32>
        %add3A_169 = arith.addf %mul3A_161, %mul3A_168 : vector<16xf32>
        %get3A_170 = arith.index_cast %add3A_154 : i32 to index
        %get3A_171 = arith.constant 32 : index
        %get3A_172 = tpu.vector_load %arg8[%get3A_170, %get3A_171] {strides = array<i32>} : memref<80x128xf32, #tpu.memory_space<vmem>>, vector<16xf32>,
        %get3A_173 = arith.index_cast %add3A_154 : i32 to index
        %get3A_174 = arith.constant 32 : index
        %get3A_175 = tpu.vector_load %arg9[%get3A_173, %get3A_174] {strides = array<i32>} : memref<80x128xf32, #tpu.memory_space<vmem>>, vector<16xf32>,
        %mul3A_176 = arith.mulf %get3A_172, %get3A_175 : vector<16xf32>
        %get3A_177 = arith.index_cast %add3A_154 : i32 to index
        %get3A_178 = arith.constant 48 : index
        %get3A_179 = tpu.vector_load %arg8[%get3A_177, %get3A_178] {strides = array<i32>} : memref<80x128xf32, #tpu.memory_space<vmem>>, vector<16xf32>,
        %get3A_180 = arith.index_cast %add3A_154 : i32 to index
        %get3A_181 = arith.constant 48 : index
        %get3A_182 = tpu.vector_load %arg9[%get3A_180, %get3A_181] {strides = array<i32>} : memref<80x128xf32, #tpu.memory_space<vmem>>, vector<16xf32>,
        %mul3A_183 = arith.mulf %get3A_179, %get3A_182 : vector<16xf32>
        %add3A_184 = arith.addf %mul3A_176, %mul3A_183 : vector<16xf32>
        %get3A_185 = arith.index_cast %add3A_154 : i32 to index
        %get3A_186 = arith.constant 64 : index
        %get3A_187 = tpu.vector_load %arg8[%get3A_185, %get3A_186] {strides = array<i32>} : memref<80x128xf32, #tpu.memory_space<vmem>>, vector<16xf32>,
        %get3A_188 = arith.index_cast %add3A_154 : i32 to index
        %get3A_189 = arith.constant 64 : index
        %get3A_190 = tpu.vector_load %arg9[%get3A_188, %get3A_189] {strides = array<i32>} : memref<80x128xf32, #tpu.memory_space<vmem>>, vector<16xf32>,
        %mul3A_191 = arith.mulf %get3A_187, %get3A_190 : vector<16xf32>
        %get3A_192 = arith.index_cast %add3A_154 : i32 to index
        %get3A_193 = arith.constant 80 : index
        %get3A_194 = tpu.vector_load %arg8[%get3A_192, %get3A_193] {strides = array<i32>} : memref<80x128xf32, #tpu.memory_space<vmem>>, vector<16xf32>,
        %get3A_195 = arith.index_cast %add3A_154 : i32 to index
        %get3A_196 = arith.constant 80 : index
        %get3A_197 = tpu.vector_load %arg9[%get3A_195, %get3A_196] {strides = array<i32>} : memref<80x128xf32, #tpu.memory_space<vmem>>, vector<16xf32>,
        %mul3A_198 = arith.mulf %get3A_194, %get3A_197 : vector<16xf32>
        %add3A_199 = arith.addf %mul3A_191, %mul3A_198 : vector<16xf32>
        %get3A_200 = arith.index_cast %add3A_154 : i32 to index
        %get3A_201 = arith.constant 96 : index
        %get3A_202 = tpu.vector_load %arg8[%get3A_200, %get3A_201] {strides = array<i32>} : memref<80x128xf32, #tpu.memory_space<vmem>>, vector<16xf32>,
        %get3A_203 = arith.index_cast %add3A_154 : i32 to index
        %get3A_204 = arith.constant 96 : index
        %get3A_205 = tpu.vector_load %arg9[%get3A_203, %get3A_204] {strides = array<i32>} : memref<80x128xf32, #tpu.memory_space<vmem>>, vector<16xf32>,
        %mul3A_206 = arith.mulf %get3A_202, %get3A_205 : vector<16xf32>
        %get3A_207 = arith.index_cast %add3A_154 : i32 to index
        %get3A_208 = arith.constant 112 : index
        %get3A_209 = tpu.vector_load %arg8[%get3A_207, %get3A_208] {strides = array<i32>} : memref<80x128xf32, #tpu.memory_space<vmem>>, vector<16xf32>,
        %get3A_210 = arith.index_cast %add3A_154 : i32 to index
        %get3A_211 = arith.constant 112 : index
        %get3A_212 = tpu.vector_load %arg9[%get3A_210, %get3A_211] {strides = array<i32>} : memref<80x128xf32, #tpu.memory_space<vmem>>, vector<16xf32>,
        %mul3A_213 = arith.mulf %get3A_209, %get3A_212 : vector<16xf32>
        %add3A_214 = arith.addf %mul3A_206, %mul3A_213 : vector<16xf32>
        %add3A_215 = arith.addf %add3A_169, %add3A_184 : vector<16xf32>
        %add3A_216 = arith.addf %add3A_199, %add3A_214 : vector<16xf32>
        %add3A_217 = arith.addf %add3A_215, %add3A_216 : vector<16xf32>
        %swap3A_218 = arith.index_cast %add3A_154 : i32 to index
        %swap3A_219 = arith.constant 0 : index
        %swap3A_220 = tpu.vector_load %arg12[%swap3A_218, %swap3A_219] {strides = array<i32>} : memref<80x16xf32, #tpu.memory_space<vmem>>, vector<16xf32>,
        tpu.vector_store %arg12[%swap3A_218, %swap3A_219], %add3A_217 {strides = array<i32>} : memref<80x16xf32, #tpu.memory_space<vmem>>, vector<16xf32>,
        %mul3A_221 = arith.constant 4 : i32
        %mul3A_222 = arith.muli %scan3A_82, %mul3A_221 : i32
        %add3A_223 = arith.constant 2 : i32
        %add3A_224 = arith.addi %mul3A_222, %add3A_223 : i32
        %get3A_225 = arith.index_cast %add3A_224 : i32 to index
        %get3A_226 = arith.constant 0 : index
        %get3A_227 = tpu.vector_load %arg8[%get3A_225, %get3A_226] {strides = array<i32>} : memref<80x128xf32, #tpu.memory_space<vmem>>, vector<16xf32>,
        %get3A_228 = arith.index_cast %add3A_224 : i32 to index
        %get3A_229 = arith.constant 0 : index
        %get3A_230 = tpu.vector_load %arg9[%get3A_228, %get3A_229] {strides = array<i32>} : memref<80x128xf32, #tpu.memory_space<vmem>>, vector<16xf32>,
        %mul3A_231 = arith.mulf %get3A_227, %get3A_230 : vector<16xf32>
        %get3A_232 = arith.index_cast %add3A_224 : i32 to index
        %get3A_233 = arith.constant 16 : index
        %get3A_234 = tpu.vector_load %arg8[%get3A_232, %get3A_233] {strides = array<i32>} : memref<80x128xf32, #tpu.memory_space<vmem>>, vector<16xf32>,
        %get3A_235 = arith.index_cast %add3A_224 : i32 to index
        %get3A_236 = arith.constant 16 : index
        %get3A_237 = tpu.vector_load %arg9[%get3A_235, %get3A_236] {strides = array<i32>} : memref<80x128xf32, #tpu.memory_space<vmem>>, vector<16xf32>,
        %mul3A_238 = arith.mulf %get3A_234, %get3A_237 : vector<16xf32>
        %add3A_239 = arith.addf %mul3A_231, %mul3A_238 : vector<16xf32>
        %get3A_240 = arith.index_cast %add3A_224 : i32 to index
        %get3A_241 = arith.constant 32 : index
        %get3A_242 = tpu.vector_load %arg8[%get3A_240, %get3A_241] {strides = array<i32>} : memref<80x128xf32, #tpu.memory_space<vmem>>, vector<16xf32>,
        %get3A_243 = arith.index_cast %add3A_224 : i32 to index
        %get3A_244 = arith.constant 32 : index
        %get3A_245 = tpu.vector_load %arg9[%get3A_243, %get3A_244] {strides = array<i32>} : memref<80x128xf32, #tpu.memory_space<vmem>>, vector<16xf32>,
        %mul3A_246 = arith.mulf %get3A_242, %get3A_245 : vector<16xf32>
        %get3A_247 = arith.index_cast %add3A_224 : i32 to index
        %get3A_248 = arith.constant 48 : index
        %get3A_249 = tpu.vector_load %arg8[%get3A_247, %get3A_248] {strides = array<i32>} : memref<80x128xf32, #tpu.memory_space<vmem>>, vector<16xf32>,
        %get3A_250 = arith.index_cast %add3A_224 : i32 to index
        %get3A_251 = arith.constant 48 : index
        %get3A_252 = tpu.vector_load %arg9[%get3A_250, %get3A_251] {strides = array<i32>} : memref<80x128xf32, #tpu.memory_space<vmem>>, vector<16xf32>,
        %mul3A_253 = arith.mulf %get3A_249, %get3A_252 : vector<16xf32>
        %add3A_254 = arith.addf %mul3A_246, %mul3A_253 : vector<16xf32>
        %get3A_255 = arith.index_cast %add3A_224 : i32 to index
        %get3A_256 = arith.constant 64 : index
        %get3A_257 = tpu.vector_load %arg8[%get3A_255, %get3A_256] {strides = array<i32>} : memref<80x128xf32, #tpu.memory_space<vmem>>, vector<16xf32>,
        %get3A_258 = arith.index_cast %add3A_224 : i32 to index
        %get3A_259 = arith.constant 64 : index
        %get3A_260 = tpu.vector_load %arg9[%get3A_258, %get3A_259] {strides = array<i32>} : memref<80x128xf32, #tpu.memory_space<vmem>>, vector<16xf32>,
        %mul3A_261 = arith.mulf %get3A_257, %get3A_260 : vector<16xf32>
        %get3A_262 = arith.index_cast %add3A_224 : i32 to index
        %get3A_263 = arith.constant 80 : index
        %get3A_264 = tpu.vector_load %arg8[%get3A_262, %get3A_263] {strides = array<i32>} : memref<80x128xf32, #tpu.memory_space<vmem>>, vector<16xf32>,
        %get3A_265 = arith.index_cast %add3A_224 : i32 to index
        %get3A_266 = arith.constant 80 : index
        %get3A_267 = tpu.vector_load %arg9[%get3A_265, %get3A_266] {strides = array<i32>} : memref<80x128xf32, #tpu.memory_space<vmem>>, vector<16xf32>,
        %mul3A_268 = arith.mulf %get3A_264, %get3A_267 : vector<16xf32>
        %add3A_269 = arith.addf %mul3A_261, %mul3A_268 : vector<16xf32>
        %get3A_270 = arith.index_cast %add3A_224 : i32 to index
        %get3A_271 = arith.constant 96 : index
        %get3A_272 = tpu.vector_load %arg8[%get3A_270, %get3A_271] {strides = array<i32>} : memref<80x128xf32, #tpu.memory_space<vmem>>, vector<16xf32>,
        %get3A_273 = arith.index_cast %add3A_224 : i32 to index
        %get3A_274 = arith.constant 96 : index
        %get3A_275 = tpu.vector_load %arg9[%get3A_273, %get3A_274] {strides = array<i32>} : memref<80x128xf32, #tpu.memory_space<vmem>>, vector<16xf32>,
        %mul3A_276 = arith.mulf %get3A_272, %get3A_275 : vector<16xf32>
        %get3A_277 = arith.index_cast %add3A_224 : i32 to index
        %get3A_278 = arith.constant 112 : index
        %get3A_279 = tpu.vector_load %arg8[%get3A_277, %get3A_278] {strides = array<i32>} : memref<80x128xf32, #tpu.memory_space<vmem>>, vector<16xf32>,
        %get3A_280 = arith.index_cast %add3A_224 : i32 to index
        %get3A_281 = arith.constant 112 : index
        %get3A_282 = tpu.vector_load %arg9[%get3A_280, %get3A_281] {strides = array<i32>} : memref<80x128xf32, #tpu.memory_space<vmem>>, vector<16xf32>,
        %mul3A_283 = arith.mulf %get3A_279, %get3A_282 : vector<16xf32>
        %add3A_284 = arith.addf %mul3A_276, %mul3A_283 : vector<16xf32>
        %add3A_285 = arith.addf %add3A_239, %add3A_254 : vector<16xf32>
        %add3A_286 = arith.addf %add3A_269, %add3A_284 : vector<16xf32>
        %add3A_287 = arith.addf %add3A_285, %add3A_286 : vector<16xf32>
        %swap3A_288 = arith.index_cast %add3A_224 : i32 to index
        %swap3A_289 = arith.constant 0 : index
        %swap3A_290 = tpu.vector_load %arg12[%swap3A_288, %swap3A_289] {strides = array<i32>} : memref<80x16xf32, #tpu.memory_space<vmem>>, vector<16xf32>,
        tpu.vector_store %arg12[%swap3A_288, %swap3A_289], %add3A_287 {strides = array<i32>} : memref<80x16xf32, #tpu.memory_space<vmem>>, vector<16xf32>,
        %mul3A_291 = arith.constant 4 : i32
        %mul3A_292 = arith.muli %scan3A_82, %mul3A_291 : i32
        %add3A_293 = arith.constant 3 : i32
        %add3A_294 = arith.addi %mul3A_292, %add3A_293 : i32
        %get3A_295 = arith.index_cast %add3A_294 : i32 to index
        %get3A_296 = arith.constant 0 : index
        %get3A_297 = tpu.vector_load %arg8[%get3A_295, %get3A_296] {strides = array<i32>} : memref<80x128xf32, #tpu.memory_space<vmem>>, vector<16xf32>,
        %get3A_298 = arith.index_cast %add3A_294 : i32 to index
        %get3A_299 = arith.constant 0 : index
        %get3A_300 = tpu.vector_load %arg9[%get3A_298, %get3A_299] {strides = array<i32>} : memref<80x128xf32, #tpu.memory_space<vmem>>, vector<16xf32>,
        %mul3A_301 = arith.mulf %get3A_297, %get3A_300 : vector<16xf32>
        %get3A_302 = arith.index_cast %add3A_294 : i32 to index
        %get3A_303 = arith.constant 16 : index
        %get3A_304 = tpu.vector_load %arg8[%get3A_302, %get3A_303] {strides = array<i32>} : memref<80x128xf32, #tpu.memory_space<vmem>>, vector<16xf32>,
        %get3A_305 = arith.index_cast %add3A_294 : i32 to index
        %get3A_306 = arith.constant 16 : index
        %get3A_307 = tpu.vector_load %arg9[%get3A_305, %get3A_306] {strides = array<i32>} : memref<80x128xf32, #tpu.memory_space<vmem>>, vector<16xf32>,
        %mul3A_308 = arith.mulf %get3A_304, %get3A_307 : vector<16xf32>
        %add3A_309 = arith.addf %mul3A_301, %mul3A_308 : vector<16xf32>
        %get3A_310 = arith.index_cast %add3A_294 : i32 to index
        %get3A_311 = arith.constant 32 : index
        %get3A_312 = tpu.vector_load %arg8[%get3A_310, %get3A_311] {strides = array<i32>} : memref<80x128xf32, #tpu.memory_space<vmem>>, vector<16xf32>,
        %get3A_313 = arith.index_cast %add3A_294 : i32 to index
        %get3A_314 = arith.constant 32 : index
        %get3A_315 = tpu.vector_load %arg9[%get3A_313, %get3A_314] {strides = array<i32>} : memref<80x128xf32, #tpu.memory_space<vmem>>, vector<16xf32>,
        %mul3A_316 = arith.mulf %get3A_312, %get3A_315 : vector<16xf32>
        %get3A_317 = arith.index_cast %add3A_294 : i32 to index
        %get3A_318 = arith.constant 48 : index
        %get3A_319 = tpu.vector_load %arg8[%get3A_317, %get3A_318] {strides = array<i32>} : memref<80x128xf32, #tpu.memory_space<vmem>>, vector<16xf32>,
        %get3A_320 = arith.index_cast %add3A_294 : i32 to index
        %get3A_321 = arith.constant 48 : index
        %get3A_322 = tpu.vector_load %arg9[%get3A_320, %get3A_321] {strides = array<i32>} : memref<80x128xf32, #tpu.memory_space<vmem>>, vector<16xf32>,
        %mul3A_323 = arith.mulf %get3A_319, %get3A_322 : vector<16xf32>
        %add3A_324 = arith.addf %mul3A_316, %mul3A_323 : vector<16xf32>
        %get3A_325 = arith.index_cast %add3A_294 : i32 to index
        %get3A_326 = arith.constant 64 : index
        %get3A_327 = tpu.vector_load %arg8[%get3A_325, %get3A_326] {strides = array<i32>} : memref<80x128xf32, #tpu.memory_space<vmem>>, vector<16xf32>,
        %get3A_328 = arith.index_cast %add3A_294 : i32 to index
        %get3A_329 = arith.constant 64 : index
        %get3A_330 = tpu.vector_load %arg9[%get3A_328, %get3A_329] {strides = array<i32>} : memref<80x128xf32, #tpu.memory_space<vmem>>, vector<16xf32>,
        %mul3A_331 = arith.mulf %get3A_327, %get3A_330 : vector<16xf32>
        %get3A_332 = arith.index_cast %add3A_294 : i32 to index
        %get3A_333 = arith.constant 80 : index
        %get3A_334 = tpu.vector_load %arg8[%get3A_332, %get3A_333] {strides = array<i32>} : memref<80x128xf32, #tpu.memory_space<vmem>>, vector<16xf32>,
        %get3A_335 = arith.index_cast %add3A_294 : i32 to index
        %get3A_336 = arith.constant 80 : index
        %get3A_337 = tpu.vector_load %arg9[%get3A_335, %get3A_336] {strides = array<i32>} : memref<80x128xf32, #tpu.memory_space<vmem>>, vector<16xf32>,
        %mul3A_338 = arith.mulf %get3A_334, %get3A_337 : vector<16xf32>
        %add3A_339 = arith.addf %mul3A_331, %mul3A_338 : vector<16xf32>
        %get3A_340 = arith.index_cast %add3A_294 : i32 to index
        %get3A_341 = arith.constant 96 : index
        %get3A_342 = tpu.vector_load %arg8[%get3A_340, %get3A_341] {strides = array<i32>} : memref<80x128xf32, #tpu.memory_space<vmem>>, vector<16xf32>,
        %get3A_343 = arith.index_cast %add3A_294 : i32 to index
        %get3A_344 = arith.constant 96 : index
        %get3A_345 = tpu.vector_load %arg9[%get3A_343, %get3A_344] {strides = array<i32>} : memref<80x128xf32, #tpu.memory_space<vmem>>, vector<16xf32>,
        %mul3A_346 = arith.mulf %get3A_342, %get3A_345 : vector<16xf32>
        %get3A_347 = arith.index_cast %add3A_294 : i32 to index
        %get3A_348 = arith.constant 112 : index
        %get3A_349 = tpu.vector_load %arg8[%get3A_347, %get3A_348] {strides = array<i32>} : memref<80x128xf32, #tpu.memory_space<vmem>>, vector<16xf32>,
        %get3A_350 = arith.index_cast %add3A_294 : i32 to index
        %get3A_351 = arith.constant 112 : index
        %get3A_352 = tpu.vector_load %arg9[%get3A_350, %get3A_351] {strides = array<i32>} : memref<80x128xf32, #tpu.memory_space<vmem>>, vector<16xf32>,
        %mul3A_353 = arith.mulf %get3A_349, %get3A_352 : vector<16xf32>
        %add3A_354 = arith.addf %mul3A_346, %mul3A_353 : vector<16xf32>
        %add3A_355 = arith.addf %add3A_309, %add3A_324 : vector<16xf32>
        %add3A_356 = arith.addf %add3A_339, %add3A_354 : vector<16xf32>
        %add3A_357 = arith.addf %add3A_355, %add3A_356 : vector<16xf32>
        %swap3A_358 = arith.index_cast %add3A_294 : i32 to index
        %swap3A_359 = arith.constant 0 : index
        %swap3A_360 = tpu.vector_load %arg12[%swap3A_358, %swap3A_359] {strides = array<i32>} : memref<80x16xf32, #tpu.memory_space<vmem>>, vector<16xf32>,
        tpu.vector_store %arg12[%swap3A_358, %swap3A_359], %add3A_357 {strides = array<i32>} : memref<80x16xf32, #tpu.memory_space<vmem>>, vector<16xf32>,
      }
      %scan3A_48 = arith.constant 20 : i32
      %scan3A_49 = arith.constant 0 : i32
      %scan3A_50 = arith.constant 0 : i32
      %scan3A_51 = arith.constant 5 : i32
      %scan3A_52 = arith.addi %scan3A_50, %scan3A_51 : i32
      %scan3A_53 = arith.constant 1 : i32
      scf.for %scan3A_82 = %scan3A_50 to %scan3A_52 step %scan3A_53  : i32 {
        %mul3A_83 = arith.constant 16 : i32
        %mul3A_84 = arith.muli %scan3A_82, %mul3A_83 : i32
        %add3A_85 = vector.broadcast %mul3A_84 : i32 to vector<16xi32>
        %add3A_86 = arith.addi %add3A_85, %iota3A : vector<16xi32>
        %broadcast_in_dim3A = arith.constant 0.000000e+00 : f32
        %broadcast_in_dim3A_87 = vector.broadcast %broadcast_in_dim3A : f32 to vector<16xf32>
        %gather3A = tpu.vector_load_idx %arg12[%add3A_86, %iota3A] : memref<80x16xf32, #tpu.memory_space<vmem>>[vector<16xi32>, vector<16xi32>], vector<16xf32>,
        %add3A_88 = arith.addf %broadcast_in_dim3A_87, %gather3A : vector<16xf32>
        %add3A_89 = arith.constant 1 : i32
        %add3A_90 = vector.broadcast %add3A_89 : i32 to vector<16xi32>
        %add3A_91 = arith.addi %iota3A, %add3A_90 : vector<16xi32>
        %and3A = arith.constant 15 : i32
        %and3A_92 = vector.broadcast %and3A : i32 to vector<16xi32>
        %and3A_93 = arith.andi %add3A_91, %and3A_92 : vector<16xi32>
        %gather3A_94 = tpu.vector_load_idx %arg12[%add3A_86, %and3A_93] : memref<80x16xf32, #tpu.memory_space<vmem>>[vector<16xi32>, vector<16xi32>], vector<16xf32>,
        %add3A_95 = arith.addf %add3A_88, %gather3A_94 : vector<16xf32>
        %add3A_96 = arith.constant 1 : i32
        %add3A_97 = vector.broadcast %add3A_96 : i32 to vector<16xi32>
        %add3A_98 = arith.addi %and3A_93, %add3A_97 : vector<16xi32>
        %and3A_99 = arith.constant 15 : i32
        %and3A_100 = vector.broadcast %and3A_99 : i32 to vector<16xi32>
        %and3A_101 = arith.andi %add3A_98, %and3A_100 : vector<16xi32>
        %gather3A_102 = tpu.vector_load_idx %arg12[%add3A_86, %and3A_101] : memref<80x16xf32, #tpu.memory_space<vmem>>[vector<16xi32>, vector<16xi32>], vector<16xf32>,
        %add3A_103 = arith.addf %add3A_95, %gather3A_102 : vector<16xf32>
        %add3A_104 = arith.constant 1 : i32
        %add3A_105 = vector.broadcast %add3A_104 : i32 to vector<16xi32>
        %add3A_106 = arith.addi %and3A_101, %add3A_105 : vector<16xi32>
        %and3A_107 = arith.constant 15 : i32
        %and3A_108 = vector.broadcast %and3A_107 : i32 to vector<16xi32>
        %and3A_109 = arith.andi %add3A_106, %and3A_108 : vector<16xi32>
        %gather3A_110 = tpu.vector_load_idx %arg12[%add3A_86, %and3A_109] : memref<80x16xf32, #tpu.memory_space<vmem>>[vector<16xi32>, vector<16xi32>], vector<16xf32>,
        %add3A_111 = arith.addf %add3A_103, %gather3A_110 : vector<16xf32>
        %add3A_112 = arith.constant 1 : i32
        %add3A_113 = vector.broadcast %add3A_112 : i32 to vector<16xi32>
        %add3A_114 = arith.addi %and3A_109, %add3A_113 : vector<16xi32>
        %and3A_115 = arith.constant 15 : i32
        %and3A_116 = vector.broadcast %and3A_115 : i32 to vector<16xi32>
        %and3A_117 = arith.andi %add3A_114, %and3A_116 : vector<16xi32>
        %gather3A_118 = tpu.vector_load_idx %arg12[%add3A_86, %and3A_117] : memref<80x16xf32, #tpu.memory_space<vmem>>[vector<16xi32>, vector<16xi32>], vector<16xf32>,
        %add3A_119 = arith.addf %add3A_111, %gather3A_118 : vector<16xf32>
        %add3A_120 = arith.constant 1 : i32
        %add3A_121 = vector.broadcast %add3A_120 : i32 to vector<16xi32>
        %add3A_122 = arith.addi %and3A_117, %add3A_121 : vector<16xi32>
        %and3A_123 = arith.constant 15 : i32
        %and3A_124 = vector.broadcast %and3A_123 : i32 to vector<16xi32>
        %and3A_125 = arith.andi %add3A_122, %and3A_124 : vector<16xi32>
        %gather3A_126 = tpu.vector_load_idx %arg12[%add3A_86, %and3A_125] : memref<80x16xf32, #tpu.memory_space<vmem>>[vector<16xi32>, vector<16xi32>], vector<16xf32>,
        %add3A_127 = arith.addf %add3A_119, %gather3A_126 : vector<16xf32>
        %add3A_128 = arith.constant 1 : i32
        %add3A_129 = vector.broadcast %add3A_128 : i32 to vector<16xi32>
        %add3A_130 = arith.addi %and3A_125, %add3A_129 : vector<16xi32>
        %and3A_131 = arith.constant 15 : i32
        %and3A_132 = vector.broadcast %and3A_131 : i32 to vector<16xi32>
        %and3A_133 = arith.andi %add3A_130, %and3A_132 : vector<16xi32>
        %gather3A_134 = tpu.vector_load_idx %arg12[%add3A_86, %and3A_133] : memref<80x16xf32, #tpu.memory_space<vmem>>[vector<16xi32>, vector<16xi32>], vector<16xf32>,
        %add3A_135 = arith.addf %add3A_127, %gather3A_134 : vector<16xf32>
        %add3A_136 = arith.constant 1 : i32
        %add3A_137 = vector.broadcast %add3A_136 : i32 to vector<16xi32>
        %add3A_138 = arith.addi %and3A_133, %add3A_137 : vector<16xi32>
        %and3A_139 = arith.constant 15 : i32
        %and3A_140 = vector.broadcast %and3A_139 : i32 to vector<16xi32>
        %and3A_141 = arith.andi %add3A_138, %and3A_140 : vector<16xi32>
        %gather3A_142 = tpu.vector_load_idx %arg12[%add3A_86, %and3A_141] : memref<80x16xf32, #tpu.memory_space<vmem>>[vector<16xi32>, vector<16xi32>], vector<16xf32>,
        %add3A_143 = arith.addf %add3A_135, %gather3A_142 : vector<16xf32>
        %add3A_144 = arith.constant 1 : i32
        %add3A_145 = vector.broadcast %add3A_144 : i32 to vector<16xi32>
        %add3A_146 = arith.addi %and3A_141, %add3A_145 : vector<16xi32>
        %and3A_147 = arith.constant 15 : i32
        %and3A_148 = vector.broadcast %and3A_147 : i32 to vector<16xi32>
        %and3A_149 = arith.andi %add3A_146, %and3A_148 : vector<16xi32>
        %gather3A_150 = tpu.vector_load_idx %arg12[%add3A_86, %and3A_149] : memref<80x16xf32, #tpu.memory_space<vmem>>[vector<16xi32>, vector<16xi32>], vector<16xf32>,
        %add3A_151 = arith.addf %add3A_143, %gather3A_150 : vector<16xf32>
        %add3A_152 = arith.constant 1 : i32
        %add3A_153 = vector.broadcast %add3A_152 : i32 to vector<16xi32>
        %add3A_154 = arith.addi %and3A_149, %add3A_153 : vector<16xi32>
        %and3A_155 = arith.constant 15 : i32
        %and3A_156 = vector.broadcast %and3A_155 : i32 to vector<16xi32>
        %and3A_157 = arith.andi %add3A_154, %and3A_156 : vector<16xi32>
        %gather3A_158 = tpu.vector_load_idx %arg12[%add3A_86, %and3A_157] : memref<80x16xf32, #tpu.memory_space<vmem>>[vector<16xi32>, vector<16xi32>], vector<16xf32>,
        %add3A_159 = arith.addf %add3A_151, %gather3A_158 : vector<16xf32>
        %add3A_160 = arith.constant 1 : i32
        %add3A_161 = vector.broadcast %add3A_160 : i32 to vector<16xi32>
        %add3A_162 = arith.addi %and3A_157, %add3A_161 : vector<16xi32>
        %and3A_163 = arith.constant 15 : i32
        %and3A_164 = vector.broadcast %and3A_163 : i32 to vector<16xi32>
        %and3A_165 = arith.andi %add3A_162, %and3A_164 : vector<16xi32>
        %gather3A_166 = tpu.vector_load_idx %arg12[%add3A_86, %and3A_165] : memref<80x16xf32, #tpu.memory_space<vmem>>[vector<16xi32>, vector<16xi32>], vector<16xf32>,
        %add3A_167 = arith.addf %add3A_159, %gather3A_166 : vector<16xf32>
        %add3A_168 = arith.constant 1 : i32
        %add3A_169 = vector.broadcast %add3A_168 : i32 to vector<16xi32>
        %add3A_170 = arith.addi %and3A_165, %add3A_169 : vector<16xi32>
        %and3A_171 = arith.constant 15 : i32
        %and3A_172 = vector.broadcast %and3A_171 : i32 to vector<16xi32>
        %and3A_173 = arith.andi %add3A_170, %and3A_172 : vector<16xi32>
        %gather3A_174 = tpu.vector_load_idx %arg12[%add3A_86, %and3A_173] : memref<80x16xf32, #tpu.memory_space<vmem>>[vector<16xi32>, vector<16xi32>], vector<16xf32>,
        %add3A_175 = arith.addf %add3A_167, %gather3A_174 : vector<16xf32>
        %add3A_176 = arith.constant 1 : i32
        %add3A_177 = vector.broadcast %add3A_176 : i32 to vector<16xi32>
        %add3A_178 = arith.addi %and3A_173, %add3A_177 : vector<16xi32>
        %and3A_179 = arith.constant 15 : i32
        %and3A_180 = vector.broadcast %and3A_179 : i32 to vector<16xi32>
        %and3A_181 = arith.andi %add3A_178, %and3A_180 : vector<16xi32>
        %gather3A_182 = tpu.vector_load_idx %arg12[%add3A_86, %and3A_181] : memref<80x16xf32, #tpu.memory_space<vmem>>[vector<16xi32>, vector<16xi32>], vector<16xf32>,
        %add3A_183 = arith.addf %add3A_175, %gather3A_182 : vector<16xf32>
        %add3A_184 = arith.constant 1 : i32
        %add3A_185 = vector.broadcast %add3A_184 : i32 to vector<16xi32>
        %add3A_186 = arith.addi %and3A_181, %add3A_185 : vector<16xi32>
        %and3A_187 = arith.constant 15 : i32
        %and3A_188 = vector.broadcast %and3A_187 : i32 to vector<16xi32>
        %and3A_189 = arith.andi %add3A_186, %and3A_188 : vector<16xi32>
        %gather3A_190 = tpu.vector_load_idx %arg12[%add3A_86, %and3A_189] : memref<80x16xf32, #tpu.memory_space<vmem>>[vector<16xi32>, vector<16xi32>], vector<16xf32>,
        %add3A_191 = arith.addf %add3A_183, %gather3A_190 : vector<16xf32>
        %add3A_192 = arith.constant 1 : i32
        %add3A_193 = vector.broadcast %add3A_192 : i32 to vector<16xi32>
        %add3A_194 = arith.addi %and3A_189, %add3A_193 : vector<16xi32>
        %and3A_195 = arith.constant 15 : i32
        %and3A_196 = vector.broadcast %and3A_195 : i32 to vector<16xi32>
        %and3A_197 = arith.andi %add3A_194, %and3A_196 : vector<16xi32>
        %gather3A_198 = tpu.vector_load_idx %arg12[%add3A_86, %and3A_197] : memref<80x16xf32, #tpu.memory_space<vmem>>[vector<16xi32>, vector<16xi32>], vector<16xf32>,
        %add3A_199 = arith.addf %add3A_191, %gather3A_198 : vector<16xf32>
        %add3A_200 = arith.constant 1 : i32
        %add3A_201 = vector.broadcast %add3A_200 : i32 to vector<16xi32>
        %add3A_202 = arith.addi %and3A_197, %add3A_201 : vector<16xi32>
        %and3A_203 = arith.constant 15 : i32
        %and3A_204 = vector.broadcast %and3A_203 : i32 to vector<16xi32>
        %and3A_205 = arith.andi %add3A_202, %and3A_204 : vector<16xi32>
        %gather3A_206 = tpu.vector_load_idx %arg12[%add3A_86, %and3A_205] : memref<80x16xf32, #tpu.memory_space<vmem>>[vector<16xi32>, vector<16xi32>], vector<16xf32>,
        %add3A_207 = arith.addf %add3A_199, %gather3A_206 : vector<16xf32>
        %add3A_208 = arith.constant 1 : i32
        %add3A_209 = vector.broadcast %add3A_208 : i32 to vector<16xi32>
        %add3A_210 = arith.addi %and3A_205, %add3A_209 : vector<16xi32>
        %and3A_211 = arith.constant 15 : i32
        %and3A_212 = vector.broadcast %and3A_211 : i32 to vector<16xi32>
        %and3A_213 = arith.andi %add3A_210, %and3A_212 : vector<16xi32>
        %mul3A_214 = arith.constant 16 : i32
        %mul3A_215 = arith.muli %scan3A_82, %mul3A_214 : i32
        %add3A_216 = arith.addi %mul3A_42, %mul3A_215 : i32
        %swap3A = arith.index_cast %add3A_216 : i32 to index
        %swap3A_217 = tpu.vector_load %arg13[%swap3A] {strides = array<i32>} : memref<20000xf32, #tpu.memory_space<vmem>>, vector<16xf32>,
        tpu.vector_store %arg13[%swap3A], %add3A_207 {strides = array<i32>} : memref<20000xf32, #tpu.memory_space<vmem>>, vector<16xf32>,
      }
      %scan3A_54 = arith.constant 5 : i32
      %lt3A = arith.constant 124 : i32
      %lt3A_55 = arith.cmpi slt, %scan3A_17, %lt3A : i32
      %convert_element_type3A = arith.extui %lt3A_55 : i1 to i32
      %cond3A = arith.constant 0 : i32
      %cond3A_56 = arith.cmpi ne, %convert_element_type3A, %cond3A : i32
      scf.if %cond3A_56 {
        %add3A_82 = arith.constant 2 : i32
        %add3A_83 = arith.addi %mul3A_19, %add3A_82 : i32
        %mul3A_84 = arith.constant 80 : i32
        %mul3A_85 = arith.muli %add3A_83, %mul3A_84 : i32
        %dma_start3A_86 = tpu.memref_slice %arg6[%mul3A_85] : memref<20000xi32, #tpu.memory_space<vmem>> -> memref<80xi32, #tpu.memory_space<vmem>>
        %dma_start3A_87 = arith.constant 0 : i32
        %dma_start3A_88 = arith.constant 0 : i32
        %dma_start3A_89 = tpu.memref_slice %arg2[%dma_start3A_87, %dma_start3A_88] : memref<10000x128xf32, #tpu.memory_space<hbm>> -> memref<10000x128xf32, #tpu.memory_space<hbm>>
        tpu.enqueue_indirect_dma source(%dma_start3A_89 : memref<10000x128xf32, #tpu.memory_space<hbm>>) target(%arg8 : memref<80x128xf32, #tpu.memory_space<vmem>>) offsets(%dma_start3A_86 : memref<80xi32, #tpu.memory_space<vmem>>) semaphore(%arg14 : memref<!tpu.dma_semaphore, #tpu.memory_space<semaphore_mem>>)
        %dma_start3A_90 = tpu.memref_slice %arg7[%mul3A_85] : memref<20000xi32, #tpu.memory_space<vmem>> -> memref<80xi32, #tpu.memory_space<vmem>>
        %dma_start3A_91 = arith.constant 0 : i32
        %dma_start3A_92 = arith.constant 0 : i32
        %dma_start3A_93 = tpu.memref_slice %arg2[%dma_start3A_91, %dma_start3A_92] : memref<10000x128xf32, #tpu.memory_space<hbm>> -> memref<10000x128xf32, #tpu.memory_space<hbm>>
        tpu.enqueue_indirect_dma source(%dma_start3A_93 : memref<10000x128xf32, #tpu.memory_space<hbm>>) target(%arg9 : memref<80x128xf32, #tpu.memory_space<vmem>>) offsets(%dma_start3A_90 : memref<80xi32, #tpu.memory_space<vmem>>) semaphore(%arg15 : memref<!tpu.dma_semaphore, #tpu.memory_space<semaphore_mem>>)
      } else {
      }
      %mul3A_57 = arith.constant 80 : i32
      %mul3A_58 = arith.muli %add3A_21, %mul3A_57 : i32
      %dma_wait3A_59 = tpu.memref_slice %arg6[%mul3A_58] : memref<20000xi32, #tpu.memory_space<vmem>> -> memref<80xi32, #tpu.memory_space<vmem>>
      %dma_wait3A_60 = arith.constant 0 : i32
      %dma_wait3A_61 = arith.constant 0 : i32
      %dma_wait3A_62 = tpu.memref_slice %arg2[%dma_wait3A_60, %dma_wait3A_61] : memref<10000x128xf32, #tpu.memory_space<hbm>> -> memref<10000x128xf32, #tpu.memory_space<hbm>>
      tpu.wait_indirect_dma semaphore(%arg16 : memref<!tpu.dma_semaphore, #tpu.memory_space<semaphore_mem>>) src(%dma_wait3A_62 : memref<10000x128xf32, #tpu.memory_space<hbm>>) dst(%arg10 : memref<80x128xf32, #tpu.memory_space<vmem>>)
      %dma_wait3A_63 = tpu.memref_slice %arg7[%mul3A_58] : memref<20000xi32, #tpu.memory_space<vmem>> -> memref<80xi32, #tpu.memory_space<vmem>>
      %dma_wait3A_64 = arith.constant 0 : i32
      %dma_wait3A_65 = arith.constant 0 : i32
      %dma_wait3A_66 = tpu.memref_slice %arg2[%dma_wait3A_64, %dma_wait3A_65] : memref<10000x128xf32, #tpu.memory_space<hbm>> -> memref<10000x128xf32, #tpu.memory_space<hbm>>
      tpu.wait_indirect_dma semaphore(%arg17 : memref<!tpu.dma_semaphore, #tpu.memory_space<semaphore_mem>>) src(%dma_wait3A_66 : memref<10000x128xf32, #tpu.memory_space<hbm>>) dst(%arg11 : memref<80x128xf32, #tpu.memory_space<vmem>>)
      %mul3A_67 = arith.constant 80 : i32
      %mul3A_68 = arith.muli %add3A_21, %mul3A_67 : i32
      %iota3A_69 = tpu.iota {dimensions = array<i32: 0>} : vector<16xi32>
      %scan3A_70 = arith.constant 0 : i32
      %scan3A_71 = arith.constant 0 : i32
      %scan3A_72 = arith.constant 20 : i32
      %scan3A_73 = arith.addi %scan3A_71, %scan3A_72 : i32
      %scan3A_74 = arith.constant 1 : i32
      scf.for %scan3A_82 = %scan3A_71 to %scan3A_73 step %scan3A_74  : i32 {
        %mul3A_83 = arith.constant 4 : i32
        %mul3A_84 = arith.muli %scan3A_82, %mul3A_83 : i32
        %add3A_85 = arith.constant 0 : i32
        %add3A_86 = arith.addi %mul3A_84, %add3A_85 : i32
        %get3A = arith.index_cast %add3A_86 : i32 to index
        %get3A_87 = arith.constant 0 : index
        %get3A_88 = tpu.vector_load %arg10[%get3A, %get3A_87] {strides = array<i32>} : memref<80x128xf32, #tpu.memory_space<vmem>>, vector<16xf32>,
        %get3A_89 = arith.index_cast %add3A_86 : i32 to index
        %get3A_90 = arith.constant 0 : index
        %get3A_91 = tpu.vector_load %arg11[%get3A_89, %get3A_90] {strides = array<i32>} : memref<80x128xf32, #tpu.memory_space<vmem>>, vector<16xf32>,
        %mul3A_92 = arith.mulf %get3A_88, %get3A_91 : vector<16xf32>
        %get3A_93 = arith.index_cast %add3A_86 : i32 to index
        %get3A_94 = arith.constant 16 : index
        %get3A_95 = tpu.vector_load %arg10[%get3A_93, %get3A_94] {strides = array<i32>} : memref<80x128xf32, #tpu.memory_space<vmem>>, vector<16xf32>,
        %get3A_96 = arith.index_cast %add3A_86 : i32 to index
        %get3A_97 = arith.constant 16 : index
        %get3A_98 = tpu.vector_load %arg11[%get3A_96, %get3A_97] {strides = array<i32>} : memref<80x128xf32, #tpu.memory_space<vmem>>, vector<16xf32>,
        %mul3A_99 = arith.mulf %get3A_95, %get3A_98 : vector<16xf32>
        %add3A_100 = arith.addf %mul3A_92, %mul3A_99 : vector<16xf32>
        %get3A_101 = arith.index_cast %add3A_86 : i32 to index
        %get3A_102 = arith.constant 32 : index
        %get3A_103 = tpu.vector_load %arg10[%get3A_101, %get3A_102] {strides = array<i32>} : memref<80x128xf32, #tpu.memory_space<vmem>>, vector<16xf32>,
        %get3A_104 = arith.index_cast %add3A_86 : i32 to index
        %get3A_105 = arith.constant 32 : index
        %get3A_106 = tpu.vector_load %arg11[%get3A_104, %get3A_105] {strides = array<i32>} : memref<80x128xf32, #tpu.memory_space<vmem>>, vector<16xf32>,
        %mul3A_107 = arith.mulf %get3A_103, %get3A_106 : vector<16xf32>
        %get3A_108 = arith.index_cast %add3A_86 : i32 to index
        %get3A_109 = arith.constant 48 : index
        %get3A_110 = tpu.vector_load %arg10[%get3A_108, %get3A_109] {strides = array<i32>} : memref<80x128xf32, #tpu.memory_space<vmem>>, vector<16xf32>,
        %get3A_111 = arith.index_cast %add3A_86 : i32 to index
        %get3A_112 = arith.constant 48 : index
        %get3A_113 = tpu.vector_load %arg11[%get3A_111, %get3A_112] {strides = array<i32>} : memref<80x128xf32, #tpu.memory_space<vmem>>, vector<16xf32>,
        %mul3A_114 = arith.mulf %get3A_110, %get3A_113 : vector<16xf32>
        %add3A_115 = arith.addf %mul3A_107, %mul3A_114 : vector<16xf32>
        %get3A_116 = arith.index_cast %add3A_86 : i32 to index
        %get3A_117 = arith.constant 64 : index
        %get3A_118 = tpu.vector_load %arg10[%get3A_116, %get3A_117] {strides = array<i32>} : memref<80x128xf32, #tpu.memory_space<vmem>>, vector<16xf32>,
        %get3A_119 = arith.index_cast %add3A_86 : i32 to index
        %get3A_120 = arith.constant 64 : index
        %get3A_121 = tpu.vector_load %arg11[%get3A_119, %get3A_120] {strides = array<i32>} : memref<80x128xf32, #tpu.memory_space<vmem>>, vector<16xf32>,
        %mul3A_122 = arith.mulf %get3A_118, %get3A_121 : vector<16xf32>
        %get3A_123 = arith.index_cast %add3A_86 : i32 to index
        %get3A_124 = arith.constant 80 : index
        %get3A_125 = tpu.vector_load %arg10[%get3A_123, %get3A_124] {strides = array<i32>} : memref<80x128xf32, #tpu.memory_space<vmem>>, vector<16xf32>,
        %get3A_126 = arith.index_cast %add3A_86 : i32 to index
        %get3A_127 = arith.constant 80 : index
        %get3A_128 = tpu.vector_load %arg11[%get3A_126, %get3A_127] {strides = array<i32>} : memref<80x128xf32, #tpu.memory_space<vmem>>, vector<16xf32>,
        %mul3A_129 = arith.mulf %get3A_125, %get3A_128 : vector<16xf32>
        %add3A_130 = arith.addf %mul3A_122, %mul3A_129 : vector<16xf32>
        %get3A_131 = arith.index_cast %add3A_86 : i32 to index
        %get3A_132 = arith.constant 96 : index
        %get3A_133 = tpu.vector_load %arg10[%get3A_131, %get3A_132] {strides = array<i32>} : memref<80x128xf32, #tpu.memory_space<vmem>>, vector<16xf32>,
        %get3A_134 = arith.index_cast %add3A_86 : i32 to index
        %get3A_135 = arith.constant 96 : index
        %get3A_136 = tpu.vector_load %arg11[%get3A_134, %get3A_135] {strides = array<i32>} : memref<80x128xf32, #tpu.memory_space<vmem>>, vector<16xf32>,
        %mul3A_137 = arith.mulf %get3A_133, %get3A_136 : vector<16xf32>
        %get3A_138 = arith.index_cast %add3A_86 : i32 to index
        %get3A_139 = arith.constant 112 : index
        %get3A_140 = tpu.vector_load %arg10[%get3A_138, %get3A_139] {strides = array<i32>} : memref<80x128xf32, #tpu.memory_space<vmem>>, vector<16xf32>,
        %get3A_141 = arith.index_cast %add3A_86 : i32 to index
        %get3A_142 = arith.constant 112 : index
        %get3A_143 = tpu.vector_load %arg11[%get3A_141, %get3A_142] {strides = array<i32>} : memref<80x128xf32, #tpu.memory_space<vmem>>, vector<16xf32>,
        %mul3A_144 = arith.mulf %get3A_140, %get3A_143 : vector<16xf32>
        %add3A_145 = arith.addf %mul3A_137, %mul3A_144 : vector<16xf32>
        %add3A_146 = arith.addf %add3A_100, %add3A_115 : vector<16xf32>
        %add3A_147 = arith.addf %add3A_130, %add3A_145 : vector<16xf32>
        %add3A_148 = arith.addf %add3A_146, %add3A_147 : vector<16xf32>
        %swap3A = arith.index_cast %add3A_86 : i32 to index
        %swap3A_149 = arith.constant 0 : index
        %swap3A_150 = tpu.vector_load %arg12[%swap3A, %swap3A_149] {strides = array<i32>} : memref<80x16xf32, #tpu.memory_space<vmem>>, vector<16xf32>,
        tpu.vector_store %arg12[%swap3A, %swap3A_149], %add3A_148 {strides = array<i32>} : memref<80x16xf32, #tpu.memory_space<vmem>>, vector<16xf32>,
        %mul3A_151 = arith.constant 4 : i32
        %mul3A_152 = arith.muli %scan3A_82, %mul3A_151 : i32
        %add3A_153 = arith.constant 1 : i32
        %add3A_154 = arith.addi %mul3A_152, %add3A_153 : i32
        %get3A_155 = arith.index_cast %add3A_154 : i32 to index
        %get3A_156 = arith.constant 0 : index
        %get3A_157 = tpu.vector_load %arg10[%get3A_155, %get3A_156] {strides = array<i32>} : memref<80x128xf32, #tpu.memory_space<vmem>>, vector<16xf32>,
        %get3A_158 = arith.index_cast %add3A_154 : i32 to index
        %get3A_159 = arith.constant 0 : index
        %get3A_160 = tpu.vector_load %arg11[%get3A_158, %get3A_159] {strides = array<i32>} : memref<80x128xf32, #tpu.memory_space<vmem>>, vector<16xf32>,
        %mul3A_161 = arith.mulf %get3A_157, %get3A_160 : vector<16xf32>
        %get3A_162 = arith.index_cast %add3A_154 : i32 to index
        %get3A_163 = arith.constant 16 : index
        %get3A_164 = tpu.vector_load %arg10[%get3A_162, %get3A_163] {strides = array<i32>} : memref<80x128xf32, #tpu.memory_space<vmem>>, vector<16xf32>,
        %get3A_165 = arith.index_cast %add3A_154 : i32 to index
        %get3A_166 = arith.constant 16 : index
        %get3A_167 = tpu.vector_load %arg11[%get3A_165, %get3A_166] {strides = array<i32>} : memref<80x128xf32, #tpu.memory_space<vmem>>, vector<16xf32>,
        %mul3A_168 = arith.mulf %get3A_164, %get3A_167 : vector<16xf32>
        %add3A_169 = arith.addf %mul3A_161, %mul3A_168 : vector<16xf32>
        %get3A_170 = arith.index_cast %add3A_154 : i32 to index
        %get3A_171 = arith.constant 32 : index
        %get3A_172 = tpu.vector_load %arg10[%get3A_170, %get3A_171] {strides = array<i32>} : memref<80x128xf32, #tpu.memory_space<vmem>>, vector<16xf32>,
        %get3A_173 = arith.index_cast %add3A_154 : i32 to index
        %get3A_174 = arith.constant 32 : index
        %get3A_175 = tpu.vector_load %arg11[%get3A_173, %get3A_174] {strides = array<i32>} : memref<80x128xf32, #tpu.memory_space<vmem>>, vector<16xf32>,
        %mul3A_176 = arith.mulf %get3A_172, %get3A_175 : vector<16xf32>
        %get3A_177 = arith.index_cast %add3A_154 : i32 to index
        %get3A_178 = arith.constant 48 : index
        %get3A_179 = tpu.vector_load %arg10[%get3A_177, %get3A_178] {strides = array<i32>} : memref<80x128xf32, #tpu.memory_space<vmem>>, vector<16xf32>,
        %get3A_180 = arith.index_cast %add3A_154 : i32 to index
        %get3A_181 = arith.constant 48 : index
        %get3A_182 = tpu.vector_load %arg11[%get3A_180, %get3A_181] {strides = array<i32>} : memref<80x128xf32, #tpu.memory_space<vmem>>, vector<16xf32>,
        %mul3A_183 = arith.mulf %get3A_179, %get3A_182 : vector<16xf32>
        %add3A_184 = arith.addf %mul3A_176, %mul3A_183 : vector<16xf32>
        %get3A_185 = arith.index_cast %add3A_154 : i32 to index
        %get3A_186 = arith.constant 64 : index
        %get3A_187 = tpu.vector_load %arg10[%get3A_185, %get3A_186] {strides = array<i32>} : memref<80x128xf32, #tpu.memory_space<vmem>>, vector<16xf32>,
        %get3A_188 = arith.index_cast %add3A_154 : i32 to index
        %get3A_189 = arith.constant 64 : index
        %get3A_190 = tpu.vector_load %arg11[%get3A_188, %get3A_189] {strides = array<i32>} : memref<80x128xf32, #tpu.memory_space<vmem>>, vector<16xf32>,
        %mul3A_191 = arith.mulf %get3A_187, %get3A_190 : vector<16xf32>
        %get3A_192 = arith.index_cast %add3A_154 : i32 to index
        %get3A_193 = arith.constant 80 : index
        %get3A_194 = tpu.vector_load %arg10[%get3A_192, %get3A_193] {strides = array<i32>} : memref<80x128xf32, #tpu.memory_space<vmem>>, vector<16xf32>,
        %get3A_195 = arith.index_cast %add3A_154 : i32 to index
        %get3A_196 = arith.constant 80 : index
        %get3A_197 = tpu.vector_load %arg11[%get3A_195, %get3A_196] {strides = array<i32>} : memref<80x128xf32, #tpu.memory_space<vmem>>, vector<16xf32>,
        %mul3A_198 = arith.mulf %get3A_194, %get3A_197 : vector<16xf32>
        %add3A_199 = arith.addf %mul3A_191, %mul3A_198 : vector<16xf32>
        %get3A_200 = arith.index_cast %add3A_154 : i32 to index
        %get3A_201 = arith.constant 96 : index
        %get3A_202 = tpu.vector_load %arg10[%get3A_200, %get3A_201] {strides = array<i32>} : memref<80x128xf32, #tpu.memory_space<vmem>>, vector<16xf32>,
        %get3A_203 = arith.index_cast %add3A_154 : i32 to index
        %get3A_204 = arith.constant 96 : index
        %get3A_205 = tpu.vector_load %arg11[%get3A_203, %get3A_204] {strides = array<i32>} : memref<80x128xf32, #tpu.memory_space<vmem>>, vector<16xf32>,
        %mul3A_206 = arith.mulf %get3A_202, %get3A_205 : vector<16xf32>
        %get3A_207 = arith.index_cast %add3A_154 : i32 to index
        %get3A_208 = arith.constant 112 : index
        %get3A_209 = tpu.vector_load %arg10[%get3A_207, %get3A_208] {strides = array<i32>} : memref<80x128xf32, #tpu.memory_space<vmem>>, vector<16xf32>,
        %get3A_210 = arith.index_cast %add3A_154 : i32 to index
        %get3A_211 = arith.constant 112 : index
        %get3A_212 = tpu.vector_load %arg11[%get3A_210, %get3A_211] {strides = array<i32>} : memref<80x128xf32, #tpu.memory_space<vmem>>, vector<16xf32>,
        %mul3A_213 = arith.mulf %get3A_209, %get3A_212 : vector<16xf32>
        %add3A_214 = arith.addf %mul3A_206, %mul3A_213 : vector<16xf32>
        %add3A_215 = arith.addf %add3A_169, %add3A_184 : vector<16xf32>
        %add3A_216 = arith.addf %add3A_199, %add3A_214 : vector<16xf32>
        %add3A_217 = arith.addf %add3A_215, %add3A_216 : vector<16xf32>
        %swap3A_218 = arith.index_cast %add3A_154 : i32 to index
        %swap3A_219 = arith.constant 0 : index
        %swap3A_220 = tpu.vector_load %arg12[%swap3A_218, %swap3A_219] {strides = array<i32>} : memref<80x16xf32, #tpu.memory_space<vmem>>, vector<16xf32>,
        tpu.vector_store %arg12[%swap3A_218, %swap3A_219], %add3A_217 {strides = array<i32>} : memref<80x16xf32, #tpu.memory_space<vmem>>, vector<16xf32>,
        %mul3A_221 = arith.constant 4 : i32
        %mul3A_222 = arith.muli %scan3A_82, %mul3A_221 : i32
        %add3A_223 = arith.constant 2 : i32
        %add3A_224 = arith.addi %mul3A_222, %add3A_223 : i32
        %get3A_225 = arith.index_cast %add3A_224 : i32 to index
        %get3A_226 = arith.constant 0 : index
        %get3A_227 = tpu.vector_load %arg10[%get3A_225, %get3A_226] {strides = array<i32>} : memref<80x128xf32, #tpu.memory_space<vmem>>, vector<16xf32>,
        %get3A_228 = arith.index_cast %add3A_224 : i32 to index
        %get3A_229 = arith.constant 0 : index
        %get3A_230 = tpu.vector_load %arg11[%get3A_228, %get3A_229] {strides = array<i32>} : memref<80x128xf32, #tpu.memory_space<vmem>>, vector<16xf32>,
        %mul3A_231 = arith.mulf %get3A_227, %get3A_230 : vector<16xf32>
        %get3A_232 = arith.index_cast %add3A_224 : i32 to index
        %get3A_233 = arith.constant 16 : index
        %get3A_234 = tpu.vector_load %arg10[%get3A_232, %get3A_233] {strides = array<i32>} : memref<80x128xf32, #tpu.memory_space<vmem>>, vector<16xf32>,
        %get3A_235 = arith.index_cast %add3A_224 : i32 to index
        %get3A_236 = arith.constant 16 : index
        %get3A_237 = tpu.vector_load %arg11[%get3A_235, %get3A_236] {strides = array<i32>} : memref<80x128xf32, #tpu.memory_space<vmem>>, vector<16xf32>,
        %mul3A_238 = arith.mulf %get3A_234, %get3A_237 : vector<16xf32>
        %add3A_239 = arith.addf %mul3A_231, %mul3A_238 : vector<16xf32>
        %get3A_240 = arith.index_cast %add3A_224 : i32 to index
        %get3A_241 = arith.constant 32 : index
        %get3A_242 = tpu.vector_load %arg10[%get3A_240, %get3A_241] {strides = array<i32>} : memref<80x128xf32, #tpu.memory_space<vmem>>, vector<16xf32>,
        %get3A_243 = arith.index_cast %add3A_224 : i32 to index
        %get3A_244 = arith.constant 32 : index
        %get3A_245 = tpu.vector_load %arg11[%get3A_243, %get3A_244] {strides = array<i32>} : memref<80x128xf32, #tpu.memory_space<vmem>>, vector<16xf32>,
        %mul3A_246 = arith.mulf %get3A_242, %get3A_245 : vector<16xf32>
        %get3A_247 = arith.index_cast %add3A_224 : i32 to index
        %get3A_248 = arith.constant 48 : index
        %get3A_249 = tpu.vector_load %arg10[%get3A_247, %get3A_248] {strides = array<i32>} : memref<80x128xf32, #tpu.memory_space<vmem>>, vector<16xf32>,
        %get3A_250 = arith.index_cast %add3A_224 : i32 to index
        %get3A_251 = arith.constant 48 : index
        %get3A_252 = tpu.vector_load %arg11[%get3A_250, %get3A_251] {strides = array<i32>} : memref<80x128xf32, #tpu.memory_space<vmem>>, vector<16xf32>,
        %mul3A_253 = arith.mulf %get3A_249, %get3A_252 : vector<16xf32>
        %add3A_254 = arith.addf %mul3A_246, %mul3A_253 : vector<16xf32>
        %get3A_255 = arith.index_cast %add3A_224 : i32 to index
        %get3A_256 = arith.constant 64 : index
        %get3A_257 = tpu.vector_load %arg10[%get3A_255, %get3A_256] {strides = array<i32>} : memref<80x128xf32, #tpu.memory_space<vmem>>, vector<16xf32>,
        %get3A_258 = arith.index_cast %add3A_224 : i32 to index
        %get3A_259 = arith.constant 64 : index
        %get3A_260 = tpu.vector_load %arg11[%get3A_258, %get3A_259] {strides = array<i32>} : memref<80x128xf32, #tpu.memory_space<vmem>>, vector<16xf32>,
        %mul3A_261 = arith.mulf %get3A_257, %get3A_260 : vector<16xf32>
        %get3A_262 = arith.index_cast %add3A_224 : i32 to index
        %get3A_263 = arith.constant 80 : index
        %get3A_264 = tpu.vector_load %arg10[%get3A_262, %get3A_263] {strides = array<i32>} : memref<80x128xf32, #tpu.memory_space<vmem>>, vector<16xf32>,
        %get3A_265 = arith.index_cast %add3A_224 : i32 to index
        %get3A_266 = arith.constant 80 : index
        %get3A_267 = tpu.vector_load %arg11[%get3A_265, %get3A_266] {strides = array<i32>} : memref<80x128xf32, #tpu.memory_space<vmem>>, vector<16xf32>,
        %mul3A_268 = arith.mulf %get3A_264, %get3A_267 : vector<16xf32>
        %add3A_269 = arith.addf %mul3A_261, %mul3A_268 : vector<16xf32>
        %get3A_270 = arith.index_cast %add3A_224 : i32 to index
        %get3A_271 = arith.constant 96 : index
        %get3A_272 = tpu.vector_load %arg10[%get3A_270, %get3A_271] {strides = array<i32>} : memref<80x128xf32, #tpu.memory_space<vmem>>, vector<16xf32>,
        %get3A_273 = arith.index_cast %add3A_224 : i32 to index
        %get3A_274 = arith.constant 96 : index
        %get3A_275 = tpu.vector_load %arg11[%get3A_273, %get3A_274] {strides = array<i32>} : memref<80x128xf32, #tpu.memory_space<vmem>>, vector<16xf32>,
        %mul3A_276 = arith.mulf %get3A_272, %get3A_275 : vector<16xf32>
        %get3A_277 = arith.index_cast %add3A_224 : i32 to index
        %get3A_278 = arith.constant 112 : index
        %get3A_279 = tpu.vector_load %arg10[%get3A_277, %get3A_278] {strides = array<i32>} : memref<80x128xf32, #tpu.memory_space<vmem>>, vector<16xf32>,
        %get3A_280 = arith.index_cast %add3A_224 : i32 to index
        %get3A_281 = arith.constant 112 : index
        %get3A_282 = tpu.vector_load %arg11[%get3A_280, %get3A_281] {strides = array<i32>} : memref<80x128xf32, #tpu.memory_space<vmem>>, vector<16xf32>,
        %mul3A_283 = arith.mulf %get3A_279, %get3A_282 : vector<16xf32>
        %add3A_284 = arith.addf %mul3A_276, %mul3A_283 : vector<16xf32>
        %add3A_285 = arith.addf %add3A_239, %add3A_254 : vector<16xf32>
        %add3A_286 = arith.addf %add3A_269, %add3A_284 : vector<16xf32>
        %add3A_287 = arith.addf %add3A_285, %add3A_286 : vector<16xf32>
        %swap3A_288 = arith.index_cast %add3A_224 : i32 to index
        %swap3A_289 = arith.constant 0 : index
        %swap3A_290 = tpu.vector_load %arg12[%swap3A_288, %swap3A_289] {strides = array<i32>} : memref<80x16xf32, #tpu.memory_space<vmem>>, vector<16xf32>,
        tpu.vector_store %arg12[%swap3A_288, %swap3A_289], %add3A_287 {strides = array<i32>} : memref<80x16xf32, #tpu.memory_space<vmem>>, vector<16xf32>,
        %mul3A_291 = arith.constant 4 : i32
        %mul3A_292 = arith.muli %scan3A_82, %mul3A_291 : i32
        %add3A_293 = arith.constant 3 : i32
        %add3A_294 = arith.addi %mul3A_292, %add3A_293 : i32
        %get3A_295 = arith.index_cast %add3A_294 : i32 to index
        %get3A_296 = arith.constant 0 : index
        %get3A_297 = tpu.vector_load %arg10[%get3A_295, %get3A_296] {strides = array<i32>} : memref<80x128xf32, #tpu.memory_space<vmem>>, vector<16xf32>,
        %get3A_298 = arith.index_cast %add3A_294 : i32 to index
        %get3A_299 = arith.constant 0 : index
        %get3A_300 = tpu.vector_load %arg11[%get3A_298, %get3A_299] {strides = array<i32>} : memref<80x128xf32, #tpu.memory_space<vmem>>, vector<16xf32>,
        %mul3A_301 = arith.mulf %get3A_297, %get3A_300 : vector<16xf32>
        %get3A_302 = arith.index_cast %add3A_294 : i32 to index
        %get3A_303 = arith.constant 16 : index
        %get3A_304 = tpu.vector_load %arg10[%get3A_302, %get3A_303] {strides = array<i32>} : memref<80x128xf32, #tpu.memory_space<vmem>>, vector<16xf32>,
        %get3A_305 = arith.index_cast %add3A_294 : i32 to index
        %get3A_306 = arith.constant 16 : index
        %get3A_307 = tpu.vector_load %arg11[%get3A_305, %get3A_306] {strides = array<i32>} : memref<80x128xf32, #tpu.memory_space<vmem>>, vector<16xf32>,
        %mul3A_308 = arith.mulf %get3A_304, %get3A_307 : vector<16xf32>
        %add3A_309 = arith.addf %mul3A_301, %mul3A_308 : vector<16xf32>
        %get3A_310 = arith.index_cast %add3A_294 : i32 to index
        %get3A_311 = arith.constant 32 : index
        %get3A_312 = tpu.vector_load %arg10[%get3A_310, %get3A_311] {strides = array<i32>} : memref<80x128xf32, #tpu.memory_space<vmem>>, vector<16xf32>,
        %get3A_313 = arith.index_cast %add3A_294 : i32 to index
        %get3A_314 = arith.constant 32 : index
        %get3A_315 = tpu.vector_load %arg11[%get3A_313, %get3A_314] {strides = array<i32>} : memref<80x128xf32, #tpu.memory_space<vmem>>, vector<16xf32>,
        %mul3A_316 = arith.mulf %get3A_312, %get3A_315 : vector<16xf32>
        %get3A_317 = arith.index_cast %add3A_294 : i32 to index
        %get3A_318 = arith.constant 48 : index
        %get3A_319 = tpu.vector_load %arg10[%get3A_317, %get3A_318] {strides = array<i32>} : memref<80x128xf32, #tpu.memory_space<vmem>>, vector<16xf32>,
        %get3A_320 = arith.index_cast %add3A_294 : i32 to index
        %get3A_321 = arith.constant 48 : index
        %get3A_322 = tpu.vector_load %arg11[%get3A_320, %get3A_321] {strides = array<i32>} : memref<80x128xf32, #tpu.memory_space<vmem>>, vector<16xf32>,
        %mul3A_323 = arith.mulf %get3A_319, %get3A_322 : vector<16xf32>
        %add3A_324 = arith.addf %mul3A_316, %mul3A_323 : vector<16xf32>
        %get3A_325 = arith.index_cast %add3A_294 : i32 to index
        %get3A_326 = arith.constant 64 : index
        %get3A_327 = tpu.vector_load %arg10[%get3A_325, %get3A_326] {strides = array<i32>} : memref<80x128xf32, #tpu.memory_space<vmem>>, vector<16xf32>,
        %get3A_328 = arith.index_cast %add3A_294 : i32 to index
        %get3A_329 = arith.constant 64 : index
        %get3A_330 = tpu.vector_load %arg11[%get3A_328, %get3A_329] {strides = array<i32>} : memref<80x128xf32, #tpu.memory_space<vmem>>, vector<16xf32>,
        %mul3A_331 = arith.mulf %get3A_327, %get3A_330 : vector<16xf32>
        %get3A_332 = arith.index_cast %add3A_294 : i32 to index
        %get3A_333 = arith.constant 80 : index
        %get3A_334 = tpu.vector_load %arg10[%get3A_332, %get3A_333] {strides = array<i32>} : memref<80x128xf32, #tpu.memory_space<vmem>>, vector<16xf32>,
        %get3A_335 = arith.index_cast %add3A_294 : i32 to index
        %get3A_336 = arith.constant 80 : index
        %get3A_337 = tpu.vector_load %arg11[%get3A_335, %get3A_336] {strides = array<i32>} : memref<80x128xf32, #tpu.memory_space<vmem>>, vector<16xf32>,
        %mul3A_338 = arith.mulf %get3A_334, %get3A_337 : vector<16xf32>
        %add3A_339 = arith.addf %mul3A_331, %mul3A_338 : vector<16xf32>
        %get3A_340 = arith.index_cast %add3A_294 : i32 to index
        %get3A_341 = arith.constant 96 : index
        %get3A_342 = tpu.vector_load %arg10[%get3A_340, %get3A_341] {strides = array<i32>} : memref<80x128xf32, #tpu.memory_space<vmem>>, vector<16xf32>,
        %get3A_343 = arith.index_cast %add3A_294 : i32 to index
        %get3A_344 = arith.constant 96 : index
        %get3A_345 = tpu.vector_load %arg11[%get3A_343, %get3A_344] {strides = array<i32>} : memref<80x128xf32, #tpu.memory_space<vmem>>, vector<16xf32>,
        %mul3A_346 = arith.mulf %get3A_342, %get3A_345 : vector<16xf32>
        %get3A_347 = arith.index_cast %add3A_294 : i32 to index
        %get3A_348 = arith.constant 112 : index
        %get3A_349 = tpu.vector_load %arg10[%get3A_347, %get3A_348] {strides = array<i32>} : memref<80x128xf32, #tpu.memory_space<vmem>>, vector<16xf32>,
        %get3A_350 = arith.index_cast %add3A_294 : i32 to index
        %get3A_351 = arith.constant 112 : index
        %get3A_352 = tpu.vector_load %arg11[%get3A_350, %get3A_351] {strides = array<i32>} : memref<80x128xf32, #tpu.memory_space<vmem>>, vector<16xf32>,
        %mul3A_353 = arith.mulf %get3A_349, %get3A_352 : vector<16xf32>
        %add3A_354 = arith.addf %mul3A_346, %mul3A_353 : vector<16xf32>
        %add3A_355 = arith.addf %add3A_309, %add3A_324 : vector<16xf32>
        %add3A_356 = arith.addf %add3A_339, %add3A_354 : vector<16xf32>
        %add3A_357 = arith.addf %add3A_355, %add3A_356 : vector<16xf32>
        %swap3A_358 = arith.index_cast %add3A_294 : i32 to index
        %swap3A_359 = arith.constant 0 : index
        %swap3A_360 = tpu.vector_load %arg12[%swap3A_358, %swap3A_359] {strides = array<i32>} : memref<80x16xf32, #tpu.memory_space<vmem>>, vector<16xf32>,
        tpu.vector_store %arg12[%swap3A_358, %swap3A_359], %add3A_357 {strides = array<i32>} : memref<80x16xf32, #tpu.memory_space<vmem>>, vector<16xf32>,
      }
      %scan3A_75 = arith.constant 20 : i32
      %scan3A_76 = arith.constant 0 : i32
      %scan3A_77 = arith.constant 0 : i32
      %scan3A_78 = arith.constant 5 : i32
      %scan3A_79 = arith.addi %scan3A_77, %scan3A_78 : i32
      %scan3A_80 = arith.constant 1 : i32
      scf.for %scan3A_82 = %scan3A_77 to %scan3A_79 step %scan3A_80  : i32 {
        %mul3A_83 = arith.constant 16 : i32
        %mul3A_84 = arith.muli %scan3A_82, %mul3A_83 : i32
        %add3A_85 = vector.broadcast %mul3A_84 : i32 to vector<16xi32>
        %add3A_86 = arith.addi %add3A_85, %iota3A_69 : vector<16xi32>
        %broadcast_in_dim3A = arith.constant 0.000000e+00 : f32
        %broadcast_in_dim3A_87 = vector.broadcast %broadcast_in_dim3A : f32 to vector<16xf32>
        %gather3A = tpu.vector_load_idx %arg12[%add3A_86, %iota3A_69] : memref<80x16xf32, #tpu.memory_space<vmem>>[vector<16xi32>, vector<16xi32>], vector<16xf32>,
        %add3A_88 = arith.addf %broadcast_in_dim3A_87, %gather3A : vector<16xf32>
        %add3A_89 = arith.constant 1 : i32
        %add3A_90 = vector.broadcast %add3A_89 : i32 to vector<16xi32>
        %add3A_91 = arith.addi %iota3A_69, %add3A_90 : vector<16xi32>
        %and3A = arith.constant 15 : i32
        %and3A_92 = vector.broadcast %and3A : i32 to vector<16xi32>
        %and3A_93 = arith.andi %add3A_91, %and3A_92 : vector<16xi32>
        %gather3A_94 = tpu.vector_load_idx %arg12[%add3A_86, %and3A_93] : memref<80x16xf32, #tpu.memory_space<vmem>>[vector<16xi32>, vector<16xi32>], vector<16xf32>,
        %add3A_95 = arith.addf %add3A_88, %gather3A_94 : vector<16xf32>
        %add3A_96 = arith.constant 1 : i32
        %add3A_97 = vector.broadcast %add3A_96 : i32 to vector<16xi32>
        %add3A_98 = arith.addi %and3A_93, %add3A_97 : vector<16xi32>
        %and3A_99 = arith.constant 15 : i32
        %and3A_100 = vector.broadcast %and3A_99 : i32 to vector<16xi32>
        %and3A_101 = arith.andi %add3A_98, %and3A_100 : vector<16xi32>
        %gather3A_102 = tpu.vector_load_idx %arg12[%add3A_86, %and3A_101] : memref<80x16xf32, #tpu.memory_space<vmem>>[vector<16xi32>, vector<16xi32>], vector<16xf32>,
        %add3A_103 = arith.addf %add3A_95, %gather3A_102 : vector<16xf32>
        %add3A_104 = arith.constant 1 : i32
        %add3A_105 = vector.broadcast %add3A_104 : i32 to vector<16xi32>
        %add3A_106 = arith.addi %and3A_101, %add3A_105 : vector<16xi32>
        %and3A_107 = arith.constant 15 : i32
        %and3A_108 = vector.broadcast %and3A_107 : i32 to vector<16xi32>
        %and3A_109 = arith.andi %add3A_106, %and3A_108 : vector<16xi32>
        %gather3A_110 = tpu.vector_load_idx %arg12[%add3A_86, %and3A_109] : memref<80x16xf32, #tpu.memory_space<vmem>>[vector<16xi32>, vector<16xi32>], vector<16xf32>,
        %add3A_111 = arith.addf %add3A_103, %gather3A_110 : vector<16xf32>
        %add3A_112 = arith.constant 1 : i32
        %add3A_113 = vector.broadcast %add3A_112 : i32 to vector<16xi32>
        %add3A_114 = arith.addi %and3A_109, %add3A_113 : vector<16xi32>
        %and3A_115 = arith.constant 15 : i32
        %and3A_116 = vector.broadcast %and3A_115 : i32 to vector<16xi32>
        %and3A_117 = arith.andi %add3A_114, %and3A_116 : vector<16xi32>
        %gather3A_118 = tpu.vector_load_idx %arg12[%add3A_86, %and3A_117] : memref<80x16xf32, #tpu.memory_space<vmem>>[vector<16xi32>, vector<16xi32>], vector<16xf32>,
        %add3A_119 = arith.addf %add3A_111, %gather3A_118 : vector<16xf32>
        %add3A_120 = arith.constant 1 : i32
        %add3A_121 = vector.broadcast %add3A_120 : i32 to vector<16xi32>
        %add3A_122 = arith.addi %and3A_117, %add3A_121 : vector<16xi32>
        %and3A_123 = arith.constant 15 : i32
        %and3A_124 = vector.broadcast %and3A_123 : i32 to vector<16xi32>
        %and3A_125 = arith.andi %add3A_122, %and3A_124 : vector<16xi32>
        %gather3A_126 = tpu.vector_load_idx %arg12[%add3A_86, %and3A_125] : memref<80x16xf32, #tpu.memory_space<vmem>>[vector<16xi32>, vector<16xi32>], vector<16xf32>,
        %add3A_127 = arith.addf %add3A_119, %gather3A_126 : vector<16xf32>
        %add3A_128 = arith.constant 1 : i32
        %add3A_129 = vector.broadcast %add3A_128 : i32 to vector<16xi32>
        %add3A_130 = arith.addi %and3A_125, %add3A_129 : vector<16xi32>
        %and3A_131 = arith.constant 15 : i32
        %and3A_132 = vector.broadcast %and3A_131 : i32 to vector<16xi32>
        %and3A_133 = arith.andi %add3A_130, %and3A_132 : vector<16xi32>
        %gather3A_134 = tpu.vector_load_idx %arg12[%add3A_86, %and3A_133] : memref<80x16xf32, #tpu.memory_space<vmem>>[vector<16xi32>, vector<16xi32>], vector<16xf32>,
        %add3A_135 = arith.addf %add3A_127, %gather3A_134 : vector<16xf32>
        %add3A_136 = arith.constant 1 : i32
        %add3A_137 = vector.broadcast %add3A_136 : i32 to vector<16xi32>
        %add3A_138 = arith.addi %and3A_133, %add3A_137 : vector<16xi32>
        %and3A_139 = arith.constant 15 : i32
        %and3A_140 = vector.broadcast %and3A_139 : i32 to vector<16xi32>
        %and3A_141 = arith.andi %add3A_138, %and3A_140 : vector<16xi32>
        %gather3A_142 = tpu.vector_load_idx %arg12[%add3A_86, %and3A_141] : memref<80x16xf32, #tpu.memory_space<vmem>>[vector<16xi32>, vector<16xi32>], vector<16xf32>,
        %add3A_143 = arith.addf %add3A_135, %gather3A_142 : vector<16xf32>
        %add3A_144 = arith.constant 1 : i32
        %add3A_145 = vector.broadcast %add3A_144 : i32 to vector<16xi32>
        %add3A_146 = arith.addi %and3A_141, %add3A_145 : vector<16xi32>
        %and3A_147 = arith.constant 15 : i32
        %and3A_148 = vector.broadcast %and3A_147 : i32 to vector<16xi32>
        %and3A_149 = arith.andi %add3A_146, %and3A_148 : vector<16xi32>
        %gather3A_150 = tpu.vector_load_idx %arg12[%add3A_86, %and3A_149] : memref<80x16xf32, #tpu.memory_space<vmem>>[vector<16xi32>, vector<16xi32>], vector<16xf32>,
        %add3A_151 = arith.addf %add3A_143, %gather3A_150 : vector<16xf32>
        %add3A_152 = arith.constant 1 : i32
        %add3A_153 = vector.broadcast %add3A_152 : i32 to vector<16xi32>
        %add3A_154 = arith.addi %and3A_149, %add3A_153 : vector<16xi32>
        %and3A_155 = arith.constant 15 : i32
        %and3A_156 = vector.broadcast %and3A_155 : i32 to vector<16xi32>
        %and3A_157 = arith.andi %add3A_154, %and3A_156 : vector<16xi32>
        %gather3A_158 = tpu.vector_load_idx %arg12[%add3A_86, %and3A_157] : memref<80x16xf32, #tpu.memory_space<vmem>>[vector<16xi32>, vector<16xi32>], vector<16xf32>,
        %add3A_159 = arith.addf %add3A_151, %gather3A_158 : vector<16xf32>
        %add3A_160 = arith.constant 1 : i32
        %add3A_161 = vector.broadcast %add3A_160 : i32 to vector<16xi32>
        %add3A_162 = arith.addi %and3A_157, %add3A_161 : vector<16xi32>
        %and3A_163 = arith.constant 15 : i32
        %and3A_164 = vector.broadcast %and3A_163 : i32 to vector<16xi32>
        %and3A_165 = arith.andi %add3A_162, %and3A_164 : vector<16xi32>
        %gather3A_166 = tpu.vector_load_idx %arg12[%add3A_86, %and3A_165] : memref<80x16xf32, #tpu.memory_space<vmem>>[vector<16xi32>, vector<16xi32>], vector<16xf32>,
        %add3A_167 = arith.addf %add3A_159, %gather3A_166 : vector<16xf32>
        %add3A_168 = arith.constant 1 : i32
        %add3A_169 = vector.broadcast %add3A_168 : i32 to vector<16xi32>
        %add3A_170 = arith.addi %and3A_165, %add3A_169 : vector<16xi32>
        %and3A_171 = arith.constant 15 : i32
        %and3A_172 = vector.broadcast %and3A_171 : i32 to vector<16xi32>
        %and3A_173 = arith.andi %add3A_170, %and3A_172 : vector<16xi32>
        %gather3A_174 = tpu.vector_load_idx %arg12[%add3A_86, %and3A_173] : memref<80x16xf32, #tpu.memory_space<vmem>>[vector<16xi32>, vector<16xi32>], vector<16xf32>,
        %add3A_175 = arith.addf %add3A_167, %gather3A_174 : vector<16xf32>
        %add3A_176 = arith.constant 1 : i32
        %add3A_177 = vector.broadcast %add3A_176 : i32 to vector<16xi32>
        %add3A_178 = arith.addi %and3A_173, %add3A_177 : vector<16xi32>
        %and3A_179 = arith.constant 15 : i32
        %and3A_180 = vector.broadcast %and3A_179 : i32 to vector<16xi32>
        %and3A_181 = arith.andi %add3A_178, %and3A_180 : vector<16xi32>
        %gather3A_182 = tpu.vector_load_idx %arg12[%add3A_86, %and3A_181] : memref<80x16xf32, #tpu.memory_space<vmem>>[vector<16xi32>, vector<16xi32>], vector<16xf32>,
        %add3A_183 = arith.addf %add3A_175, %gather3A_182 : vector<16xf32>
        %add3A_184 = arith.constant 1 : i32
        %add3A_185 = vector.broadcast %add3A_184 : i32 to vector<16xi32>
        %add3A_186 = arith.addi %and3A_181, %add3A_185 : vector<16xi32>
        %and3A_187 = arith.constant 15 : i32
        %and3A_188 = vector.broadcast %and3A_187 : i32 to vector<16xi32>
        %and3A_189 = arith.andi %add3A_186, %and3A_188 : vector<16xi32>
        %gather3A_190 = tpu.vector_load_idx %arg12[%add3A_86, %and3A_189] : memref<80x16xf32, #tpu.memory_space<vmem>>[vector<16xi32>, vector<16xi32>], vector<16xf32>,
        %add3A_191 = arith.addf %add3A_183, %gather3A_190 : vector<16xf32>
        %add3A_192 = arith.constant 1 : i32
        %add3A_193 = vector.broadcast %add3A_192 : i32 to vector<16xi32>
        %add3A_194 = arith.addi %and3A_189, %add3A_193 : vector<16xi32>
        %and3A_195 = arith.constant 15 : i32
        %and3A_196 = vector.broadcast %and3A_195 : i32 to vector<16xi32>
        %and3A_197 = arith.andi %add3A_194, %and3A_196 : vector<16xi32>
        %gather3A_198 = tpu.vector_load_idx %arg12[%add3A_86, %and3A_197] : memref<80x16xf32, #tpu.memory_space<vmem>>[vector<16xi32>, vector<16xi32>], vector<16xf32>,
        %add3A_199 = arith.addf %add3A_191, %gather3A_198 : vector<16xf32>
        %add3A_200 = arith.constant 1 : i32
        %add3A_201 = vector.broadcast %add3A_200 : i32 to vector<16xi32>
        %add3A_202 = arith.addi %and3A_197, %add3A_201 : vector<16xi32>
        %and3A_203 = arith.constant 15 : i32
        %and3A_204 = vector.broadcast %and3A_203 : i32 to vector<16xi32>
        %and3A_205 = arith.andi %add3A_202, %and3A_204 : vector<16xi32>
        %gather3A_206 = tpu.vector_load_idx %arg12[%add3A_86, %and3A_205] : memref<80x16xf32, #tpu.memory_space<vmem>>[vector<16xi32>, vector<16xi32>], vector<16xf32>,
        %add3A_207 = arith.addf %add3A_199, %gather3A_206 : vector<16xf32>
        %add3A_208 = arith.constant 1 : i32
        %add3A_209 = vector.broadcast %add3A_208 : i32 to vector<16xi32>
        %add3A_210 = arith.addi %and3A_205, %add3A_209 : vector<16xi32>
        %and3A_211 = arith.constant 15 : i32
        %and3A_212 = vector.broadcast %and3A_211 : i32 to vector<16xi32>
        %and3A_213 = arith.andi %add3A_210, %and3A_212 : vector<16xi32>
        %mul3A_214 = arith.constant 16 : i32
        %mul3A_215 = arith.muli %scan3A_82, %mul3A_214 : i32
        %add3A_216 = arith.addi %mul3A_68, %mul3A_215 : i32
        %swap3A = arith.index_cast %add3A_216 : i32 to index
        %swap3A_217 = tpu.vector_load %arg13[%swap3A] {strides = array<i32>} : memref<20000xf32, #tpu.memory_space<vmem>>, vector<16xf32>,
        tpu.vector_store %arg13[%swap3A], %add3A_207 {strides = array<i32>} : memref<20000xf32, #tpu.memory_space<vmem>>, vector<16xf32>,
      }
      %scan3A_81 = arith.constant 5 : i32
    }
    %scan3A_16 = arith.constant 125 : i32
    "tpu.region"() ({
      %run_scoped3A = tpu.sem_alloc : memref<!tpu.dma_semaphore, #tpu.memory_space<semaphore_mem>>
      %dma_start3A_17 = tpu.memref_slice %arg5[%mul3A_2] : memref<640000xf32, #tpu.memory_space<hbm>> -> memref<20000xf32, #tpu.memory_space<hbm>>
      %dma_start3A_18 = tpu.memref_slice %arg5[%mul3A_2] : memref<640000xf32, #tpu.memory_space<hbm>> -> memref<20000xf32, #tpu.memory_space<hbm>>
      tpu.enqueue_dma source(%arg13 : memref<20000xf32, #tpu.memory_space<vmem>>) target(%dma_start3A_18 : memref<20000xf32, #tpu.memory_space<hbm>>) target_semaphore(%run_scoped3A : memref<!tpu.dma_semaphore, #tpu.memory_space<semaphore_mem>>)
      %dma_wait3A = tpu.memref_slice %arg5[%mul3A_2] : memref<640000xf32, #tpu.memory_space<hbm>> -> memref<20000xf32, #tpu.memory_space<hbm>>
      %dma_wait3A_19 = tpu.memref_slice %arg5[%mul3A_2] : memref<640000xf32, #tpu.memory_space<hbm>> -> memref<20000xf32, #tpu.memory_space<hbm>>
      tpu.wait_dma2 semaphore(%run_scoped3A : memref<!tpu.dma_semaphore, #tpu.memory_space<semaphore_mem>>) src(%arg13 : memref<20000xf32, #tpu.memory_space<vmem>>) dst(%dma_wait3A_19 : memref<20000xf32, #tpu.memory_space<hbm>>)
      tpu.yield
    }) : () -> ()
    return
  }
}

</mosaic_0001>

<sc_bundles>
// kernel: _sc_scores.3.cloned.1.call-start
scs
__scs_entry_jumppad:
0x0: {  	(pc) =	sbr.rel $0x88, $3  }
0x1: {  	(tag) =	ssettag $0x0;
	lr =	simm.s32 $0x1  }
0x2: {  	[smem:$0x3F9E] =	sst lr;
	_ =	strace $0xD0000000  }
0x3: {  	_ = 	snop  }
0x4: {  	_ = 	snop  }
0x5: {  	_ = 	snop  }
0x6: {  	_ = 	snop  }
0x7: {  	_ = 	snop  }
__scs_overlays_trampoline_lowered:
0x8: {  	[smem:$0x3FAD] =	sst s0  }
0x9: {  	[smem:$0x3FAE] =	sst s1  }
0xa: {  	[smem:$0x3FAF] =	sst s2  }
0xb: {  	[smem:$0x3FB0] =	sst s3  }
0xc: {  	[smem:$0x3FB1] =	sst s4  }
0xd: {  	[smem:$0x3FB2] =	sst s5  }
0xe: {  	[smem:$0x3FB3] =	sst s6  }
0xf: {  	[smem:$0x3FB4] =	sst s7  }
0x10: {  	[smem:$0x3FB5] =	sst s8  }
0x11: {  	[smem:$0x3FB6] =	sst s9;
	s0 =	simm.s32 @!p0 $0x0  }
0x12: {  	s1 =	sld [smem:$0x3F9C];
	s0 =	simm.s32 @p0 $0x1  }
0x13: {  	[smem:$0x3FB7] =	sst s0;
	s0 =	simm.s32 @!p1 $0x0  }
0x14: {  	s2 =	sld [smem:$0x3F9B];
	s0 =	simm.s32 @p1 $0x1  }
0x15: {  	[smem:$0x3FB8] =	sst s0;
	s0 =	simm.s32 @!p2 $0x0  }
0x16: {  	s3 =	sld [smem:$0x3FDB];
	s0 =	simm.s32 @p2 $0x1  }
0x17: {  	s4 =	simm.s32 $0x1BF5;
	[smem:$0x3FBA] =	sst s0  }
0x18: {  	s0 =	sld [smem:$0x3F9D];
	_ =	swait.ge [sflag:s4], $0x0  }
0x19: {  	s7 =	sld [smem:$0x3F9E]  }
0x1a: {  	s8 =	sadd.s32 $0xFFFFE003, lr  }
0x1b: {  	s9 =	sadd.s32 $0xFFFFFEF7, lr;
	s5 =	simm.s32 $0xFFFFFFFF;
	p2 =	slt.u32 s8, $0xFFFFF086  }
0x1c: {  	p1 =	slt.u32 s9, $0xF7A;
	s5 =	simm.s32 @!p2 $0x0  }
0x1d: {  	s5 =	simm.s32 @p1 $0x1;
	p0 =	seq.s32 s7, s2  }
0x1e: {  	s7 =	smul.u32 @!p0 $0xF7A, s2;
	p2 =	seq.s32 @!p0 s5, $0x0  }
0x1f: {  	s9 =	smul.u32 $0xF7A, s1;
	s8 =	simm.s32 @!p0 $0x1BF5;
	p2 =	por !p2, p0  }
0x20: {  	[sflag:s8] =	ssyncset.s32 @!p0 $0xFFFFF086;
	s6 =	sadd.s32 @!p0 s3, s7;
	s7 =	simm.s32 @!p0 $0x108  }
0x21: {  	s3 =	sadd.s32 s3, s9;
	s6 =	sadd.s32 @!p0 $0x88, s6;
	s7 =	simm.s32 @p2 $0x1082  }
0x22: {  	[simem:s7], [sflag:s8] =	dma.local @!p0 [hbm:s6], $0xF7A  }
0x23: {  	s9 =	sor.u32 $0xD0000000, s2;
	s6 =	simm.s32 $0x108;
	_ =	swait.ge @!p0 [sflag:s8], $0x0  }
0x24: {  	s3 =	sadd.s32 $0x88, s3;
	s6 =	simm.s32 @!p1 $0x1082;
	[sflag:s4] =	ssyncset.s32 $0xFFFFF086  }
0x25: {  	[simem:s6], [sflag:s4] =	dma.local [hbm:s3], $0xF7A  }
0x26: {  	[smem:$0x3F9E] =	sst s1;
	(tag) =	ssettag s2;
	_ =	strace s9  }
0x27: {  	s1 =	sld [smem:$0x3FAE]  }
0x28: {  	s2 =	sld [smem:$0x3FAF]  }
0x29: {  	s4 =	sld [smem:$0x3FB1]  }
0x2a: {  	p0 =	seq.s32 s5, $0x0;
	s5 =	sld [smem:$0x3FB2]  }
0x2b: {  	s6 =	sld [smem:$0x3FB3]  }
0x2c: {  	s7 =	sld [smem:$0x3FB4]  }
0x2d: {  	s3 =	simm.s32 $0x108;
	s8 =	sld [smem:$0x3FB5]  }
0x2e: {  	s3 =	simm.s32 @!p0 $0x1082;
	s9 =	sld [smem:$0x3FB6]  }
0x2f: {  	lr =	sadd.s32 s0, s3;
	s0 =	sld [smem:$0x3FAD]  }
0x30: {  	s3 =	sld [smem:$0x3FB0]  }
0x31: {  	[smem:$0x3FB9] =	sst s10  }
0x32: {  	s10 =	sld [smem:$0x3FB7];
	_ =	sdelay $0x3  }
0x33: {  	p0 =	seq.s32 s10, $0x1;
	s10 =	sld [smem:$0x3FB9];
	_ =	sdelay $0x3  }
0x34: {  	[smem:$0x3FB9] =	sst s10  }
0x35: {  	s10 =	sld [smem:$0x3FB8];
	_ =	sdelay $0x3  }
0x36: {  	p1 =	seq.s32 s10, $0x1;
	s10 =	sld [smem:$0x3FB9];
	_ =	sdelay $0x3  }
0x37: {  	[smem:$0x3FB9] =	sst s10  }
0x38: {  	s10 =	sld [smem:$0x3FBA]  }
0x39: {  	_ = 	snop;
	(pc) =	sbr.ind lr, $3  }
0x3a: {  	_ = 	snop  }
0x3b: {  	_ = 	snop  }
0x3c: {  	p2 =	seq.s32 s10, $0x1;
	s10 =	sld [smem:$0x3FB9]  }
0x3d: {  	_ =	shalt  }
0x3e: {  	_ =	shalt  }
0x3f: {  	_ =	shalt  }
0x40: {  	_ =	shalt  }
0x41: {  	_ =	shalt  }
0x42: {  	_ =	shalt  }
0x43: {  	_ =	shalt  }
0x44: {  	_ =	shalt  }
0x45: {  	_ =	shalt  }
0x46: {  	_ =	shalt  }
0x47: {  	_ =	shalt  }
0x48: {  	_ =	shalt  }
0x49: {  	_ =	shalt  }
0x4a: {  	_ =	shalt  }
0x4b: {  	_ =	shalt  }
0x4c: {  	_ =	shalt  }
0x4d: {  	_ =	shalt  }
0x4e: {  	_ =	shalt  }
0x4f: {  	_ =	shalt  }
0x50: {  	_ =	shalt  }
0x51: {  	_ =	shalt  }
0x52: {  	_ =	shalt  }
0x53: {  	_ =	shalt  }
0x54: {  	_ =	shalt  }
0x55: {  	_ =	shalt  }
0x56: {  	_ =	shalt  }
0x57: {  	_ =	shalt  }
0x58: {  	_ =	shalt  }
0x59: {  	_ =	shalt  }
0x5a: {  	_ =	shalt  }
0x5b: {  	_ =	shalt  }
0x5c: {  	_ =	shalt  }
0x5d: {  	_ =	shalt  }
0x5e: {  	_ =	shalt  }
0x5f: {  	_ =	shalt  }
0x60: {  	_ =	shalt  }
0x61: {  	_ =	shalt  }
0x62: {  	_ =	shalt  }
0x63: {  	_ =	shalt  }
0x64: {  	_ =	shalt  }
0x65: {  	_ =	shalt  }
0x66: {  	_ =	shalt  }
0x67: {  	_ =	shalt  }
0x68: {  	_ =	shalt  }
0x69: {  	_ =	shalt  }
0x6a: {  	_ =	shalt  }
0x6b: {  	_ =	shalt  }
0x6c: {  	_ =	shalt  }
0x6d: {  	_ =	shalt  }
0x6e: {  	_ =	shalt  }
0x6f: {  	_ =	shalt  }
0x70: {  	_ =	shalt  }
0x71: {  	_ =	shalt  }
0x72: {  	_ =	shalt  }
0x73: {  	_ =	shalt  }
0x74: {  	_ =	shalt  }
0x75: {  	_ =	shalt  }
0x76: {  	_ =	shalt  }
0x77: {  	_ =	shalt  }
0x78: {  	_ =	shalt  }
0x79: {  	_ =	shalt  }
0x7a: {  	_ =	shalt  }
0x7b: {  	_ =	shalt  }
0x7c: {  	_ =	shalt  }
0x7d: {  	_ =	shalt  }
0x7e: {  	_ =	shalt  }
0x7f: {  	_ =	shalt  }
0x80: {  	_ =	shalt  }
0x81: {  	_ =	shalt  }
0x82: {  	_ =	shalt  }
0x83: {  	_ =	shalt  }
0x84: {  	_ =	shalt  }
0x85: {  	_ =	shalt  }
0x86: {  	_ =	shalt  }
0x87: {  	_ =	shalt  }
.Lfunc_end0:
.L_simem_size_0:
called_computation_lowered:
.L_overlay_start_0:
0x88: {  	s2 =	sld [smem:$0x3FD9]  }
0x89: {  	s3 =	sld [smem:$0x3FFE];
	_ =	sdelay $0x1  }
0x8a: {  	s1 =	srdreg.scid  }
0x8b: {  	s0 =	sand.u32 $0x1, s1  }
0x8c: {  	s18 =	sshll.u32 s0, $0xA;
	s2 =	sadd.s32 s3, s2  }
0x8d: {  	s2 =	sadd.s32 s2, s18  }
0x8e: {  	[smem:$0x3FC5] =	sst s2  }
0x8f: {  	_ = 	snop  }
0x90: {  	s2 =	sld [smem:$0x3FC9]  }
0x91: {  	s19 =	sld [smem:$0x3FC8]  }
0x92: {  	s4 =	sld [smem:$0x3FC7]  }
0x93: {  	s5 =	sld [smem:$0x3FD0];
	(tm) =	ssettm $0x1  }
0x94: {  	s6 =	sld [smem:$0x3FFB];
	_ =	sdelay $0x3  }
0x95: {  	_ =	strace s6  }
0x96: {  	s6 =	sld [smem:$0x3FFC];
	_ =	sdelay $0x3  }
0x97: {  	_ =	strace s6  }
0x98: {  	s6 =	sld [smem:$0x3FFD];
	_ =	sdelay $0x3  }
0x99: {  	_ =	strace s6  }
0x9a: {  	_ =	strace $0x8FFFFFFF  }
0x9b: {  	s20 =	sld [smem:$0x3FDB];
	_ =	sdelay $0x1  }
0x9c: {  	s7 =	simm.s32 $_scs_section_size  }
0x9d: {  	s8 =	simm.s32 $_size__tile_overlayer_lowered;
	s9 =	simm.s32 $_tile_overlayer_lowered  }
0x9e: {  	s23 =	simm.s32 $0x1BFF;
	s22 =	sshll.u32 s9, $0x1;
	s6 =	sadd.s32 s7, s20  }
0x9f: {  	s10 =	simm.s32 $0x0;
	s21 =	sshll.u32 s8, $0x1;
	s8 =	sadd.s32 s22, s6  }
0xa0: {  	[timem:s10], [sflag:s23] =	dma.local [hbm:s8], s21  }
0xa1: {  	_ =	swait.ge [sflag:s23], s21  }
0xa2: {  	s7 =	ssub.s32 $0x0, s21;
	[sflag:s23] =	ssyncset.done $0x0  }
0xa3: {  	[sflag:s23] =	ssyncadd.s32 s7;
	_ =	sdelay $0x1  }
0xa4: {  	s24 =	simm.s32 $0x1B8B  }
0xa5: {  	_ =	swait.ge [sflag:s24], $0x1  }
0xa6: {  	[sflag:s24] =	ssyncset.done $0x0  }
0xa7: {  	s25 =	simm.s32 $0x1B8E;
	[sflag:s24] =	ssyncadd.s32 $0xFFFFFFFF  }
0xa8: {  	s26 =	simm.s32 $execute0_lowered;
	[smem:$0x3FD2] =	sst s25  }
0xa9: {  	s7 =	sshll.u32 s26, $0x1;
	_ =	strace $0x80000046;
	[dreg:$0x1] =	wrdreg $0xFFFFFFFF  }
0xaa: {  	s28 =	simm.s32 $_size_execute0_lowered;
	s6 =	sadd.s32 s6, s7;
	[dreg:$0x0] =	wrdreg $0x0  }
0xab: {  	s7 =	sshll.u32 s28, $0x1;
	[dreg:$0x2] =	wrdreg s6  }
0xac: {  	[dreg:$0x3] =	wrdreg s7  }
0xad: {  	[dreg:$0x4] =	wrdreg $0xC0  }
0xae: {  	_ =	task [dreg:s10], $0x5FFFF  }
0xaf: {  	[dreg:$0x1] =	wrdreg $0xFFFFFFFF  }
0xb0: {  	[dreg:$0x0] =	wrdreg $0x60  }
0xb1: {  	[dreg:$0x2] =	wrdreg s2  }
0xb2: {  	[dreg:$0x3] =	wrdreg s19  }
0xb3: {  	[dreg:$0x4] =	wrdreg s4  }
0xb4: {  	[dreg:$0x5] =	wrdreg s5  }
0xb5: {  	[dreg:$0x6] =	wrdreg $0x9  }
0xb6: {  	_ =	task.clear_ibuf [dreg:s10], $0x7FFFF;
	_ =	strace $0x90000046  }
0xb7: {  	s29 =	simm.s32 $0x9;
	_ =	strace $0x80000048  }
0xb8: {  	_ =	swait.ge [sflag:s29], $0x1  }
0xb9: {  	[sflag:s29] =	ssyncadd.s32 $0xFFFFFFFF  }
0xba: {  	_ =	strace $0x90000048  }
0xbb: {  	_ =	sfence  }
0xbc: {  	s30 =	sld [smem:$0x0];
	_ =	sdelay $0x2  }
0xbd: {  	s31 =	sshll.u32 s1, $0xD;
	s1 =	sshrl.u32 s1, $0x2  }
0xbe: {  	s3 =	sand.u32 $0x4000, s31;
	s1 =	sadd.s32 s1, s30  }
0xbf: {  	s0 =	sor.u32 s3, s0;
	s1 =	sshll.u32 s1, $0x11  }
0xc0: {  	s0 =	sor.u32 s1, s0  }
0xc1: {  	s0 =	sadd.s32 $0x8F2B, s0  }
0xc2: {  	[sflag:s0] =	ssyncadd.remote.s32 $0x1  }
0xc3: {  	_ =	sfence.sel $0xFFFF  }
0xc4: {  	[dreg:$0x0] =	wrdreg $0xFFFFFFFF;
	(pc) =	sbr.abs _section_cstart, $3  }
0xc5: {  	[dreg:$0x1] =	wrdreg $0xFFFFFFFF  }
0xc6: {  	_ =	task.clear_ibuf [dreg:s10], $0x2FFFF;
	_ =	strace $0x9FFFFFFF  }
0xc7: {  	(tm) =	ssettm $0x7FFFFFFF  }
tec
execute0_lowered:
.L_overlay_start_1:
0x0: {  	(tag) =	ssettag $0x1  }
0x1: {  	v1 =	vimm.s32 $0xFEDCBA9;
	v0 =	vlaneseq.u32  }
0x2: {  	v3 =	vimm.s32 $0x87654321;
	v4 =	vimm.s32 $0x98765432;
	v5 =	vimm.s32 $0x210FEDCB  }
0x3: {  	v6 =	vimm.s32 $0xA9876543;
	v16 =	vimm.s32 $0xCBA98765;
	v18 =	vimm.s32 $0x6543210F  }
0x4: {  	v19 =	vimm.s32 $0xEDCBA987;
	v20 =	vimm.s32 $0xFEDCBA98;
	v21 =	vimm.s32 $0x76543210  }
0x5: {  	v2 =	vunpack.c.l.s4.s8 v1;
	v1 =	vmul.u32 $0x80, v0;
	v4 =	vunpack.c.l.s4.s8 v4  }
0x6: {  	v5 =	vunpack.c.l.s4.s8 v5;
	v18 =	vunpack.c.l.s4.s8 v18;
	v19 =	vunpack.c.l.s4.s8 v19  }
0x7: {  	v20 =	vunpack.c.l.s4.s8 v20;
	v8 =	vunpack.c.0.s8.s32 v2;
	v2 =	vunpack.c.l.s4.s8 v3  }
0x8: {  	v3 =	vimm.s32 $0x10FEDCBA;
	v11 =	vunpack.c.0.s8.s32 v4;
	v12 =	vunpack.c.0.s8.s32 v5  }
0x9: {  	v18 =	vunpack.c.0.s8.s32 v18;
	v19 =	vunpack.c.0.s8.s32 v19;
	v3 =	vunpack.c.l.s4.s8 v3  }
0xa: {  	v20 =	vunpack.c.0.s8.s32 v20;
	v9 =	vunpack.c.0.s8.s32 v2;
	v2 =	vunpack.c.l.s4.s8 v6  }
0xb: {  	v24 =	vcombine.low v19, v18;
	v10 =	vunpack.c.0.s8.s32 v3;
	v3 =	vimm.s32 $0x3210FEDC  }
0xc: {  	v20 =	vand.u32 $0xF, v20;
	v13 =	vunpack.c.0.s8.s32 v2;
	v2 =	vunpack.c.l.s4.s8 v3  }
0xd: {  	v3 =	vimm.s32 $0xBA987654;
	v4 =	vcombine.low v9, v8;
	v63 =	vcombine.low v8, v9  }
0xe: {  	s0 =	rddreg [dreg:$0x0];
	v9 =	vand.u32 $0xF, v24;
	v5 =	vcombine.low v11, v10;
	v3 =	vunpack.c.l.s4.s8 v3  }
0xf: {  	s4 =	rddreg [dreg:$0x1];
	v11 =	vcombine.low v10, v11;
	v6 =	vcombine.low v13, v12;
	v14 =	vunpack.c.0.s8.s32 v2  }
0x10: {  	s5 =	rddreg [dreg:$0x2];
	v2 =	vimm.s32 $0x43210FED;
	v12 =	vcombine.low v12, v13;
	v15 =	vunpack.c.0.s8.s32 v3  }
0x11: {  	s6 =	rddreg [dreg:$0x3];
	s3 =	srdreg.scid;
	v7 =	vunpack.c.l.s4.s8 v2;
	v3 =	vand.u32 $0xF, v5;
	v5 =	vunpack.c.l.s4.s8 v16  }
0x12: {  	s1 =	stileid.u32;
	s2 =	rddreg [dreg:$0x4];
	s10 =	simm.s32 $0x50;
	v10 =	vand.u32 $0xF, v63;
	v2 =	vand.u32 $0xF, v4;
	v11 =	vand.u32 $0xF, v11  }
0x13: {  	s11 =	simm.s32 $0x9D00;
	s12 =	simm.s32 $0xC500;
	s13 =	simm.s32 $0xED00;
	v4 =	vand.u32 $0xF, v6;
	v16 =	vunpack.c.0.s8.s32 v7;
	v17 =	vunpack.c.0.s8.s32 v5  }
0x14: {  	s14 =	simm.s32 $0x11500;
	s15 =	simm.s32 $0x1;
	s16 =	simm.s32 $0x2;
	v5 =	vimm.s32 $0x543210FE;
	v7 =	vimm.s32 $0xDCBA9876;
	v13 =	vcombine.low v14, v15  }
0x15: {  	s17 =	simm.s32 $0x13D00;
	s18 =	simm.s32 $0x3;
	s19 =	simm.s32 $0x4;
	v12 =	vand.u32 $0xF, v12;
	v5 =	vunpack.c.l.s4.s8 v5;
	v7 =	vunpack.c.l.s4.s8 v7  }
0x16: {  	s20 =	simm.s32 $0x16500;
	s7 =	sand.u32 $0x1, s3;
	s8 =	sshll.u32 s1, $0x1;
	v6 =	vcombine.low v15, v14;
	v14 =	vcombine.low v16, v17;
	v13 =	vand.u32 $0xF, v13  }
0x17: {  	s3 =	simm.s32 $0x0;
	s9 =	ssub.s32 $0x2, s7;
	s7 =	sor.u32 s7, s8;
	v22 =	vunpack.c.0.s8.s32 v5;
	v23 =	vunpack.c.0.s8.s32 v7;
	v7 =	vunpack.c.l.s4.s8 v21  }
0x18: {  	[smem:$0x7FF] =	sst s3;
	s31 =	sshrl.u32 s9, $0x1;
	s7 =	smul.u32 $0x9C4, s7;
	v5 =	vand.u32 $0xF, v6;
	v6 =	vcombine.low v17, v16;
	v16 =	vcombine.low v18, v19  }
0x19: {  	s21 =	simm.s32 $0x0;
	_ =	strace $0x80000047;
	s8 =	ssub.s32 s9, s31;
	v7 =	vunpack.c.0.s8.s32 v7;
	v62 =	vcombine.low v23, v22;
	v15 =	vcombine.low v22, v23  }
0x1a: {  	s9 =	simm.s32 $0x4E80;
	s4 =	sadd.s32 s4, s7;
	s5 =	sadd.s32 s5, s7;
	v14 =	vand.u32 $0xF, v14;
	v6 =	vand.u32 $0xF, v6;
	v16 =	vand.u32 $0xF, v16  }
0x1b: {  	s6 =	sadd.s32 s6, s7;
	s7 =	smax.u32 s8, $0x1;
	s8 =	simm.s32 $0x5;
	v7 =	vcombine.low v20, v7;
	v8 =	vand.u32 $0xF, v62;
	v15 =	vand.u32 $0xF, v15  }
.LBB2_1:
0x1c: {  	[tilespmem:s3], [sflag:$0x5] =	stream.linear.gather [hbm4b:s4+s3], $0x4E20, $0x38;
	[tilespmem:$0x1B380] =	vst v63  }
0x1d: {  	_ =	swait.ge [sflag:s8], $0x4E20  }
0x1e: {  	[sflag:s8] =	ssyncset.done $0x0  }
0x1f: {  	[sflag:s8] =	ssyncadd.s32 $0xFFFFB1E0  }
0x20: {  	[tilespmem:s9], [sflag:$0x5] =	stream.linear.gather [hbm4b:s5+s3], $0x4E20, $0x38;
	[tilespmem:$0x1B380] =	vst v63  }
0x21: {  	_ =	swait.ge [sflag:s8], $0x4E20  }
0x22: {  	[sflag:s8] =	ssyncset.done $0x0  }
0x23: {  	[sflag:s8] =	ssyncadd.s32 $0xFFFFB1E0  }
0x24: {  	[tilespmem:s11], [sflag:$0x1] =	stream.indirect.gather [hbm4b:s0+s10], $0x80, s3, s10, $0xb8;
	[tilespmem:$0x1B380] =	vst v63  }
0x25: {  	s22 =	simm.s32 $0x16550;
	s23 =	simm.s32 $0x16500;
	s24 =	simm.s32 $0x0  }
0x26: {  	[tilespmem:s12], [sflag:$0x2] =	stream.indirect.gather [hbm4b:s0+s10], $0x80, s9, s10, $0xb8;
	[tilespmem:$0x1B380] =	vst v63  }
.LBB2_2:
0x27: {  	s25 =	smul.u32 $0xA0, s24;
	_ =	sdelay $0x1  }
0x28: {  	s26 =	sadd.s32 $0x50, s25  }
0x29: {  	[tilespmem:s13], [sflag:$0x3] =	stream.indirect.gather [hbm4b:s0+s10], $0x80, s26, s10, $0xb8;
	[tilespmem:$0x1B380] =	vst v63  }
0x2a: {  	s31 =	sadd.s32 $0x4ED0, s25  }
0x2b: {  	[tilespmem:s14], [sflag:$0x4] =	stream.indirect.gather [hbm4b:s0+s10], $0x80, s31, s10, $0xb8;
	[tilespmem:$0x1B380] =	vst v63  }
0x2c: {  	_ =	swait.ge [sflag:s15], $0x2800  }
0x2d: {  	[sflag:s15] =	ssyncset.done $0x0  }
0x2e: {  	[sflag:s15] =	ssyncadd.s32 $0xFFFFD800  }
0x2f: {  	_ =	swait.ge [sflag:s16], $0x2800  }
0x30: {  	[sflag:s16] =	ssyncset.done $0x0  }
0x31: {  	s26 =	simm.s32 $0x0;
	[sflag:s16] =	ssyncadd.s32 $0xFFFFD800  }
0x32: {  	v17 =	vld [tilespmem:s26+$0x9E80]  }
0x33: {  	v18 =	vld [tilespmem:s26+$0xC680]  }
0x34: {  	v19 =	vld [tilespmem:s26+$0x9E90]  }
0x35: {  	v21 =	vld [tilespmem:s26+$0xC690]  }
0x36: {  	v20 =	vld [tilespmem:s26+$0x9EA0]  }
0x37: {  	v22 =	vld [tilespmem:s26+$0xC6A0]  }
0x38: {  	v23 =	vld [tilespmem:s26+$0x9EB0]  }
0x39: {  	v25 =	vld [tilespmem:s26+$0xC6B0]  }
0x3a: {  	v24 =	vld [tilespmem:s26+$0x9EC0]  }
0x3b: {  	v26 =	vld [tilespmem:s26+$0xC6C0]  }
0x3c: {  	v27 =	vld [tilespmem:s26+$0x9ED0]  }
0x3d: {  	v29 =	vld [tilespmem:s26+$0xC6D0]  }
0x3e: {  	v28 =	vld [tilespmem:s26+$0x9EE0]  }
0x3f: {  	v30 =	vld [tilespmem:s26+$0xC6E0]  }
0x40: {  	s28 =	simm.s32 $0x0;
	s29 =	simm.s32 $0x800;
	v31 =	vld [tilespmem:s26+$0x9EF0]  }
.LBB2_3:
0x41: {  	p0 =	sne.s32 s29, $0x9800;
	v32 =	vld [tilespmem:s26+$0xC6F0]  }
0x42: {  	v33 =	vld [tilespmem:s26+$0x9D00]  }
0x43: {  	v17 =	vmul.f32 v18, v17;
	v18 =	vmul.f32 v21, v19;
	v34 =	vld [tilespmem:s26+$0xC500]  }
0x44: {  	v20 =	vmul.f32 v22, v20;
	v21 =	vmul.f32 v25, v23;
	v19 =	vld [tilespmem:s26+$0x9D10]  }
0x45: {  	v23 =	vmul.f32 v26, v24;
	v24 =	vmul.f32 v29, v27;
	v22 =	vld [tilespmem:s26+$0xC510]  }
0x46: {  	v26 =	vmul.f32 v30, v28;
	v25 =	vld [tilespmem:s26+$0x9D20];
	v27 =	vmul.f32 v32, v31  }
0x47: {  	v17 =	vadd.f32 v18, v17;
	v18 =	vadd.f32 v21, v20;
	v28 =	vld [tilespmem:s26+$0xC520]  }
0x48: {  	v23 =	vadd.f32 v24, v23;
	v20 =	vmul.f32 v34, v33;
	v21 =	vld [tilespmem:s26+$0x9D30];
	v24 =	vadd.f32 v27, v26  }
0x49: {  	v26 =	vld [tilespmem:s26+$0xC530]  }
0x4a: {  	v17 =	vadd.f32 v18, v17;
	v19 =	vmul.f32 v22, v19;
	v22 =	vld [tilespmem:s26+$0x9D40];
	v18 =	vadd.f32 v24, v23  }
0x4b: {  	v23 =	vld [tilespmem:s26+$0xC540]  }
0x4c: {  	v19 =	vadd.f32 v19, v20;
	v20 =	vmul.f32 v28, v25;
	v24 =	vld [tilespmem:s26+$0x9D50];
	v17 =	vadd.f32 v18, v17  }
0x4d: {  	v18 =	vld [tilespmem:s26+$0xC550]  }
0x4e: {  	v21 =	vmul.f32 v26, v21;
	v25 =	vld [tilespmem:s26+$0x9D60];
	[tilespmem:s26+$0x13E80] =	vst v17  }
0x4f: {  	v17 =	vld [tilespmem:s26+$0xC560]  }
0x50: {  	v20 =	vadd.f32 v21, v20;
	v21 =	vmul.f32 v23, v22;
	v22 =	vld [tilespmem:s26+$0x9D70]  }
0x51: {  	v23 =	vld [tilespmem:s26+$0xC570]  }
0x52: {  	v18 =	vmul.f32 v18, v24;
	v19 =	vadd.f32 v20, v19;
	v20 =	vld [tilespmem:s26+$0x9D80]  }
0x53: {  	v24 =	vld [tilespmem:s26+$0xC580]  }
0x54: {  	v18 =	vadd.f32 v18, v21;
	v17 =	vmul.f32 v17, v25;
	v21 =	vld [tilespmem:s26+$0x9D90]  }
0x55: {  	v25 =	vld [tilespmem:s26+$0xC590]  }
0x56: {  	v22 =	vmul.f32 v23, v22;
	v23 =	vld [tilespmem:s26+$0x9DA0]  }
0x57: {  	v26 =	vld [tilespmem:s26+$0xC5A0]  }
0x58: {  	v17 =	vadd.f32 v22, v17;
	v20 =	vmul.f32 v24, v20;
	v22 =	vld [tilespmem:s26+$0x9DB0]  }
0x59: {  	v24 =	vld [tilespmem:s26+$0xC5B0]  }
0x5a: {  	v17 =	vadd.f32 v17, v18;
	v18 =	vmul.f32 v25, v21;
	v21 =	vld [tilespmem:s26+$0x9DC0]  }
0x5b: {  	v25 =	vld [tilespmem:s26+$0xC5C0]  }
0x5c: {  	v17 =	vadd.f32 v17, v19;
	v18 =	vadd.f32 v18, v20;
	v19 =	vmul.f32 v26, v23;
	v20 =	vld [tilespmem:s26+$0x9DD0]  }
0x5d: {  	v23 =	vld [tilespmem:s26+$0xC5D0]  }
0x5e: {  	[tilespmem:s26+$0x13D00] =	vst v17;
	v17 =	vmul.f32 v24, v22;
	v22 =	vld [tilespmem:s26+$0x9DE0]  }
0x5f: {  	v24 =	vld [tilespmem:s26+$0xC5E0]  }
0x60: {  	v17 =	vadd.f32 v17, v19;
	v19 =	vmul.f32 v25, v21;
	v21 =	vld [tilespmem:s26+$0x9DF0]  }
0x61: {  	v25 =	vld [tilespmem:s26+$0xC5F0]  }
0x62: {  	v20 =	vmul.f32 v23, v20;
	v17 =	vadd.f32 v17, v18;
	v18 =	vld [tilespmem:s26+$0x9E00]  }
0x63: {  	v23 =	vld [tilespmem:s26+$0xC600]  }
0x64: {  	v19 =	vadd.f32 v20, v19;
	v20 =	vmul.f32 v24, v22;
	v22 =	vld [tilespmem:s26+$0x9E10]  }
0x65: {  	v24 =	vld [tilespmem:s26+$0xC610]  }
0x66: {  	v21 =	vmul.f32 v25, v21;
	v25 =	vld [tilespmem:s26+$0x9E20]  }
0x67: {  	v26 =	vld [tilespmem:s26+$0xC620]  }
0x68: {  	v20 =	vadd.f32 v21, v20;
	v18 =	vmul.f32 v23, v18;
	v21 =	vld [tilespmem:s26+$0x9E30]  }
0x69: {  	v23 =	vld [tilespmem:s26+$0xC630]  }
0x6a: {  	v19 =	vadd.f32 v20, v19;
	v20 =	vmul.f32 v24, v22;
	v22 =	vld [tilespmem:s26+$0x9E40]  }
0x6b: {  	v24 =	vld [tilespmem:s26+$0xC640]  }
0x6c: {  	v17 =	vadd.f32 v19, v17;
	v18 =	vadd.f32 v20, v18;
	v19 =	vmul.f32 v26, v25;
	v20 =	vld [tilespmem:s26+$0x9E50]  }
0x6d: {  	v25 =	vld [tilespmem:s26+$0xC650]  }
0x6e: {  	[tilespmem:s26+$0x13D80] =	vst v17;
	v17 =	vmul.f32 v23, v21;
	v21 =	vld [tilespmem:s26+$0x9E60]  }
0x6f: {  	v23 =	vld [tilespmem:s26+$0xC660]  }
0x70: {  	v19 =	vadd.f32 v17, v19;
	v22 =	vmul.f32 v24, v22;
	v24 =	vld [tilespmem:s26+$0x9E70]  }
0x71: {  	s30 =	sshra.s32 s29, $0x2;
	v26 =	vld [tilespmem:s26+$0xC670]  }
0x72: {  	v17 =	vld [tilespmem:s30+$0x9E80];
	v20 =	vmul.f32 v25, v20;
	v28 =	vadd.f32 v19, v18  }
0x73: {  	v18 =	vld [tilespmem:s30+$0xC680]  }
0x74: {  	v19 =	vld [tilespmem:s30+$0x9E90];
	v27 =	vadd.f32 v20, v22;
	v25 =	vmul.f32 v23, v21  }
0x75: {  	v21 =	vld [tilespmem:s30+$0xC690]  }
0x76: {  	v20 =	vld [tilespmem:s30+$0x9EA0];
	v24 =	vmul.f32 v26, v24  }
0x77: {  	v22 =	vld [tilespmem:s30+$0xC6A0]  }
0x78: {  	v23 =	vld [tilespmem:s30+$0x9EB0];
	v26 =	vadd.f32 v24, v25  }
0x79: {  	v25 =	vld [tilespmem:s30+$0xC6B0]  }
0x7a: {  	v24 =	vld [tilespmem:s30+$0x9EC0];
	v29 =	vadd.f32 v26, v27  }
0x7b: {  	v26 =	vld [tilespmem:s30+$0xC6C0]  }
.Ltmp0:
0x7c: {  	v27 =	vld [tilespmem:s30+$0x9ED0];
	v30 =	vadd.f32 v29, v28;
	(pc) =	sbr.rel @p0 .LBB2_3-.Ltmp0, $4  }
0x7d: {  	v29 =	vld [tilespmem:s30+$0xC6D0]  }
0x7e: {  	v28 =	vld [tilespmem:s30+$0x9EE0];
	[tilespmem:s26+$0x13E00] =	vst v30;
	s26 =	smov.u32 s30  }
0x7f: {  	v30 =	vld [tilespmem:s26+$0xC6E0]  }
0x80: {  	s29 =	sadd.s32 $0x800, s29;
	v31 =	vld [tilespmem:s26+$0x9EF0]  }
0x81: {  	v32 =	vld [tilespmem:s26+$0xC6F0]  }
0x82: {  	v33 =	vld [tilespmem:s26+$0x9D00]  }
0x83: {  	v34 =	vld [tilespmem:s26+$0xC500]  }
0x84: {  	v17 =	vmul.f32 v18, v17;
	v18 =	vmul.f32 v21, v19;
	v19 =	vld [tilespmem:s26+$0x9D10]  }
0x85: {  	v20 =	vmul.f32 v22, v20;
	v22 =	vld [tilespmem:s26+$0xC510]  }
0x86: {  	v55 =	vld [tilespmem:s26+$0x9D20]  }
0x87: {  	v58 =	vld [tilespmem:s26+$0xC520]  }
0x88: {  	v59 =	vld [tilespmem:s26+$0xC530]  }
0x89: {  	v60 =	vld [tilespmem:s26+$0x9D40]  }
0x8a: {  	v61 =	vld [tilespmem:s26+$0x9D60]  }
0x8b: {  	v62 =	vld [tilespmem:s26+$0x9D70]  }
0x8c: {  	v63 =	vld [tilespmem:s26+$0xC570]  }
0x8d: {  	v21 =	vmul.f32 v25, v23;
	v36 =	vld [tilespmem:s26+$0x9D80]  }
0x8e: {  	v23 =	vmul.f32 v26, v24;
	v38 =	vld [tilespmem:s26+$0x9D90];
	v54 =	vmul.f32 v29, v27  }
0x8f: {  	v40 =	vld [tilespmem:s26+$0x9DA0];
	v56 =	vmul.f32 v30, v28;
	v57 =	vmul.f32 v32, v31  }
0x90: {  	v41 =	vld [tilespmem:s26+$0xC5A0];
	v17 =	vadd.f32 v18, v17;
	v18 =	vadd.f32 v21, v20  }
0x91: {  	v42 =	vld [tilespmem:s26+$0xC5B0];
	v21 =	vadd.f32 v54, v23;
	v23 =	vadd.f32 v57, v56  }
0x92: {  	v43 =	vld [tilespmem:s26+$0xC5D0]  }
0x93: {  	v20 =	vld [tilespmem:s26+$0x9D30];
	v17 =	vadd.f32 v18, v17;
	v18 =	vadd.f32 v23, v21  }
0x94: {  	v21 =	vld [tilespmem:s26+$0xC540]  }
0x95: {  	v23 =	vld [tilespmem:s26+$0x9D50];
	v17 =	vadd.f32 v18, v17  }
0x96: {  	v18 =	vld [tilespmem:s26+$0xC550]  }
0x97: {  	[tilespmem:s26+$0x13E80] =	vst v17;
	v17 =	vld [tilespmem:s26+$0xC560]  }
0x98: {  	v44 =	vld [tilespmem:s26+$0xC5E0]  }
0x99: {  	v45 =	vld [tilespmem:s26+$0x9DF0];
	v37 =	vmul.f32 v34, v33;
	v19 =	vmul.f32 v22, v19  }
0x9a: {  	v46 =	vld [tilespmem:s26+$0xC5F0];
	v25 =	vmul.f32 v58, v55;
	v39 =	vmul.f32 v63, v62  }
0x9b: {  	v47 =	vld [tilespmem:s26+$0x9E00];
	v20 =	vmul.f32 v59, v20;
	v21 =	vmul.f32 v21, v60  }
0x9c: {  	v48 =	vld [tilespmem:s26+$0xC600];
	v18 =	vmul.f32 v18, v23;
	v17 =	vmul.f32 v17, v61  }
0x9d: {  	v49 =	vld [tilespmem:s26+$0x9E10];
	v19 =	vadd.f32 v19, v37;
	v20 =	vadd.f32 v20, v25  }
0x9e: {  	v22 =	vld [tilespmem:s26+$0xC580];
	v18 =	vadd.f32 v18, v21;
	v17 =	vadd.f32 v39, v17  }
0x9f: {  	v19 =	vadd.f32 v20, v19;
	v20 =	vld [tilespmem:s26+$0xC5C0]  }
0xa0: {  	v23 =	vld [tilespmem:s26+$0xC590];
	v17 =	vadd.f32 v17, v18  }
0xa1: {  	v21 =	vld [tilespmem:s26+$0x9DB0]  }
0xa2: {  	v18 =	vld [tilespmem:s26+$0x9DC0];
	v17 =	vadd.f32 v17, v19  }
0xa3: {  	v19 =	vld [tilespmem:s26+$0x9DD0]  }
0xa4: {  	[tilespmem:s26+$0x13D00] =	vst v17;
	v17 =	vld [tilespmem:s26+$0x9DE0]  }
0xa5: {  	v51 =	vld [tilespmem:s26+$0x9E20]  }
0xa6: {  	v52 =	vld [tilespmem:s26+$0xC630];
	v50 =	vmul.f32 v46, v45;
	v25 =	vmul.f32 v41, v40  }
0xa7: {  	v53 =	vld [tilespmem:s26+$0xC650];
	v22 =	vmul.f32 v22, v36;
	v23 =	vmul.f32 v23, v38  }
0xa8: {  	v54 =	vld [tilespmem:s26+$0xC660];
	v21 =	vmul.f32 v42, v21;
	v18 =	vmul.f32 v20, v18  }
0xa9: {  	v55 =	vld [tilespmem:s26+$0x9E70];
	v19 =	vmul.f32 v43, v19;
	v17 =	vmul.f32 v44, v17  }
0xaa: {  	v56 =	vld [tilespmem:s26+$0xC670];
	v22 =	vadd.f32 v23, v22;
	v21 =	vadd.f32 v21, v25  }
0xab: {  	v23 =	vld [tilespmem:s26+$0xC620];
	v18 =	vadd.f32 v19, v18;
	v17 =	vadd.f32 v50, v17  }
0xac: {  	v20 =	vld [tilespmem:s26+$0xC610]  }
0xad: {  	v21 =	vadd.f32 v21, v22;
	v22 =	vld [tilespmem:s26+$0xC640];
	v17 =	vadd.f32 v17, v18  }
0xae: {  	v19 =	vld [tilespmem:s26+$0x9E30]  }
0xaf: {  	v18 =	vld [tilespmem:s26+$0x9E40];
	v17 =	vadd.f32 v17, v21  }
0xb0: {  	v21 =	vld [tilespmem:s26+$0x9E50]  }
0xb1: {  	[tilespmem:s26+$0x13D80] =	vst v17;
	v17 =	vld [tilespmem:s26+$0x9E60];
	_ =	sdelay $0x1  }
0xb2: {  	v24 =	vmul.f32 v48, v47;
	v23 =	vmul.f32 v23, v51  }
0xb3: {  	v20 =	vmul.f32 v20, v49;
	v19 =	vmul.f32 v52, v19  }
0xb4: {  	v18 =	vmul.f32 v22, v18;
	v22 =	vmul.f32 v56, v55  }
0xb5: {  	v21 =	vmul.f32 v53, v21;
	v17 =	vmul.f32 v54, v17  }
0xb6: {  	v20 =	vadd.f32 v20, v24;
	v19 =	vadd.f32 v19, v23;
	v23 =	vmov s28  }
0xb7: {  	v18 =	vadd.f32 v21, v18;
	v21 =	vshll.u32 v23, $0x7;
	v17 =	vadd.f32 v22, v17  }
0xb8: {  	v21 =	vor.u32 v1, v21  }
0xb9: {  	v19 =	vadd.f32 v19, v20;
	v17 =	vadd.f32 v17, v18;
	v18 =	vor.u32 v0, v21;
	_ =	sdelay $0x1  }
0xba: {  	v17 =	vadd.f32 v17, v19;
	v19 =	vor.u32 v2, v21;
	_ =	sdelay $0x1  }
0xbb: {  	[tilespmem:s26+$0x13E00] =	vst v17;
	v17 =	vor.u32 v3, v21  }
0xbc: {  	v18 =	vld.idx.msk [tilespmem:v18+s17+$0x0], $0xffff  }
0xbd: {  	v20 =	vor.u32 v4, v21  }
0xbe: {  	v19 =	vld.idx.msk [tilespmem:v19+s17+$0x0], $0xffff  }
0xbf: {  	v22 =	vor.u32 v5, v21  }
0xc0: {  	v17 =	vld.idx.msk [tilespmem:v17+s17+$0x0], $0xffff  }
0xc1: {  	v23 =	vor.u32 v6, v21;
	v18 =	vadd.f32 $0.0e+00, v18  }
0xc2: {  	v20 =	vld.idx.msk [tilespmem:v20+s17+$0x0], $0xffff  }
0xc3: {  	v57 =	vor.u32 v8, v21;
	v18 =	vadd.f32 v19, v18  }
0xc4: {  	v19 =	vld.idx.msk [tilespmem:v22+s17+$0x0], $0xffff  }
0xc5: {  	v22 =	vor.u32 v9, v21;
	v17 =	vadd.f32 v17, v18  }
0xc6: {  	v18 =	vld.idx.msk [tilespmem:v23+s17+$0x0], $0xffff  }
0xc7: {  	v23 =	vor.u32 v7, v21;
	v17 =	vadd.f32 v20, v17  }
0xc8: {  	v20 =	vld.idx.msk [tilespmem:v57+s17+$0x0], $0xffff  }
0xc9: {  	v58 =	vor.u32 v10, v21;
	v17 =	vadd.f32 v19, v17  }
0xca: {  	v19 =	vld.idx.msk [tilespmem:v22+s17+$0x0], $0xffff  }
0xcb: {  	v22 =	vor.u32 v11, v21;
	v17 =	vadd.f32 v18, v17  }
0xcc: {  	v18 =	vld.idx.msk [tilespmem:v23+s17+$0x0], $0xffff  }
0xcd: {  	v23 =	vor.u32 v12, v21;
	v17 =	vadd.f32 v20, v17  }
0xce: {  	v20 =	vld.idx.msk [tilespmem:v58+s17+$0x0], $0xffff  }
0xcf: {  	v59 =	vor.u32 v13, v21;
	v17 =	vadd.f32 v19, v17  }
0xd0: {  	v19 =	vld.idx.msk [tilespmem:v22+s17+$0x0], $0xffff  }
0xd1: {  	v22 =	vor.u32 v14, v21;
	v17 =	vadd.f32 v18, v17  }
0xd2: {  	v18 =	vld.idx.msk [tilespmem:v23+s17+$0x0], $0xffff  }
0xd3: {  	v23 =	vor.u32 v15, v21;
	v17 =	vadd.f32 v20, v17  }
0xd4: {  	v20 =	vld.idx.msk [tilespmem:v59+s17+$0x0], $0xffff  }
0xd5: {  	v21 =	vor.u32 v16, v21;
	v17 =	vadd.f32 v19, v17  }
0xd6: {  	v19 =	vld.idx.msk [tilespmem:v22+s17+$0x0], $0xffff  }
0xd7: {  	v17 =	vadd.f32 v18, v17  }
0xd8: {  	v18 =	vld.idx.msk [tilespmem:v23+s17+$0x0], $0xffff  }
0xd9: {  	s30 =	simm.s32 $0x10;
	v17 =	vadd.f32 v20, v17  }
0xda: {  	v20 =	vld.idx.msk [tilespmem:v21+s17+$0x0], $0xffff;
	v21 =	vmov s30  }
0xdb: {  	v21 =	vshll.u32 v21, $0x7;
	v17 =	vadd.f32 v19, v17  }
0xdc: {  	v19 =	vor.u32 v1, v21  }
0xdd: {  	v21 =	vor.u32 v0, v19;
	v17 =	vadd.f32 v18, v17;
	_ =	sdelay $0x1  }
0xde: {  	v18 =	vor.u32 v2, v19;
	v17 =	vadd.f32 v20, v17;
	_ =	sdelay $0x1  }
0xdf: {  	v20 =	vor.u32 v3, v19;
	[tilespmem:s23+$0x0] =	vst v17  }
0xe0: {  	v17 =	vld.idx.msk [tilespmem:v21+s17+$0x0], $0xffff  }
0xe1: {  	v21 =	vor.u32 v4, v19  }
0xe2: {  	v18 =	vld.idx.msk [tilespmem:v18+s17+$0x0], $0xffff  }
0xe3: {  	v22 =	vor.u32 v5, v19  }
0xe4: {  	v20 =	vld.idx.msk [tilespmem:v20+s17+$0x0], $0xffff  }
0xe5: {  	v23 =	vor.u32 v6, v19;
	v17 =	vadd.f32 $0.0e+00, v17  }
0xe6: {  	v21 =	vld.idx.msk [tilespmem:v21+s17+$0x0], $0xffff  }
0xe7: {  	v60 =	vor.u32 v8, v19;
	v17 =	vadd.f32 v18, v17  }
0xe8: {  	v18 =	vld.idx.msk [tilespmem:v22+s17+$0x0], $0xffff  }
0xe9: {  	v22 =	vor.u32 v9, v19;
	v17 =	vadd.f32 v20, v17  }
0xea: {  	v20 =	vld.idx.msk [tilespmem:v23+s17+$0x0], $0xffff  }
0xeb: {  	v23 =	vor.u32 v7, v19;
	v17 =	vadd.f32 v21, v17  }
0xec: {  	v21 =	vld.idx.msk [tilespmem:v60+s17+$0x0], $0xffff  }
0xed: {  	v61 =	vor.u32 v10, v19;
	v17 =	vadd.f32 v18, v17  }
0xee: {  	v18 =	vld.idx.msk [tilespmem:v22+s17+$0x0], $0xffff  }
0xef: {  	v22 =	vor.u32 v11, v19;
	v17 =	vadd.f32 v20, v17  }
0xf0: {  	v20 =	vld.idx.msk [tilespmem:v23+s17+$0x0], $0xffff  }
0xf1: {  	v23 =	vor.u32 v12, v19;
	v17 =	vadd.f32 v21, v17  }
0xf2: {  	v21 =	vld.idx.msk [tilespmem:v61+s17+$0x0], $0xffff  }
0xf3: {  	v62 =	vor.u32 v13, v19;
	v17 =	vadd.f32 v18, v17  }
0xf4: {  	v18 =	vld.idx.msk [tilespmem:v22+s17+$0x0], $0xffff  }
0xf5: {  	v17 =	vadd.f32 v20, v17;
	v20 =	vor.u32 v14, v19  }
0xf6: {  	v22 =	vld.idx.msk [tilespmem:v23+s17+$0x0], $0xffff  }
0xf7: {  	v23 =	vor.u32 v15, v19;
	v17 =	vadd.f32 v21, v17  }
0xf8: {  	v21 =	vld.idx.msk [tilespmem:v62+s17+$0x0], $0xffff  }
0xf9: {  	v63 =	vor.u32 v16, v19;
	v17 =	vadd.f32 v18, v17  }
0xfa: {  	v19 =	vld.idx.msk [tilespmem:v20+s17+$0x0], $0xffff  }
0xfb: {  	v18 =	vadd.f32 v22, v17  }
0xfc: {  	v17 =	vld.idx.msk [tilespmem:v23+s17+$0x0], $0xffff  }
0xfd: {  	s31 =	simm.s32 $0x20;
	v20 =	vadd.f32 v21, v18  }
0xfe: {  	s28 =	simm.s32 $0x30;
	s26 =	smov.u32 s23;
	v18 =	vld.idx.msk [tilespmem:v63+s17+$0x0], $0xffff;
	v21 =	vmov s31  }
.LBB2_5:
0xff: {  	p0 =	sne.s32 s28, $0x40;
	v21 =	vshll.u32 v21, $0x7;
	v19 =	vadd.f32 v19, v20  }
0x100: {  	v20 =	vor.u32 v1, v21  }
0x101: {  	v21 =	vor.u32 v0, v20;
	v17 =	vadd.f32 v17, v19;
	_ =	sdelay $0x1  }
0x102: {  	v19 =	vor.u32 v2, v20;
	v17 =	vadd.f32 v18, v17  }
0x103: {  	s26 =	sadd.s32 $0x10, s26  }
0x104: {  	v18 =	vor.u32 v3, v20;
	[tilespmem:s26+$0x0] =	vst v17  }
0x105: {  	v17 =	vld.idx.msk [tilespmem:v21+s17+$0x0], $0xffff  }
0x106: {  	v21 =	vor.u32 v4, v20  }
0x107: {  	v19 =	vld.idx.msk [tilespmem:v19+s17+$0x0], $0xffff  }
0x108: {  	v22 =	vor.u32 v5, v20  }
0x109: {  	v18 =	vld.idx.msk [tilespmem:v18+s17+$0x0], $0xffff  }
0x10a: {  	v23 =	vor.u32 v6, v20  }
0x10b: {  	v17 =	vadd.f32 $0.0e+00, v17;
	v21 =	vld.idx.msk [tilespmem:v21+s17+$0x0], $0xffff  }
0x10c: {  	v24 =	vor.u32 v8, v20  }
0x10d: {  	v17 =	vadd.f32 v19, v17;
	v19 =	vld.idx.msk [tilespmem:v22+s17+$0x0], $0xffff  }
0x10e: {  	v22 =	vor.u32 v9, v20  }
0x10f: {  	v17 =	vadd.f32 v18, v17;
	v18 =	vld.idx.msk [tilespmem:v23+s17+$0x0], $0xffff  }
0x110: {  	v23 =	vor.u32 v7, v20  }
0x111: {  	v17 =	vadd.f32 v21, v17;
	v21 =	vld.idx.msk [tilespmem:v24+s17+$0x0], $0xffff  }
0x112: {  	v24 =	vor.u32 v10, v20  }
0x113: {  	v17 =	vadd.f32 v19, v17;
	v19 =	vld.idx.msk [tilespmem:v22+s17+$0x0], $0xffff  }
0x114: {  	v22 =	vor.u32 v11, v20  }
0x115: {  	v17 =	vadd.f32 v18, v17;
	v18 =	vld.idx.msk [tilespmem:v23+s17+$0x0], $0xffff  }
0x116: {  	v23 =	vor.u32 v12, v20  }
0x117: {  	v17 =	vadd.f32 v21, v17;
	v21 =	vld.idx.msk [tilespmem:v24+s17+$0x0], $0xffff  }
0x118: {  	v24 =	vor.u32 v13, v20  }
0x119: {  	v17 =	vadd.f32 v19, v17;
	v19 =	vld.idx.msk [tilespmem:v22+s17+$0x0], $0xffff  }
0x11a: {  	v22 =	vor.u32 v14, v20  }
0x11b: {  	v17 =	vadd.f32 v18, v17;
	v18 =	vld.idx.msk [tilespmem:v23+s17+$0x0], $0xffff  }
0x11c: {  	v23 =	vor.u32 v15, v20  }
0x11d: {  	v17 =	vadd.f32 v21, v17;
	v21 =	vld.idx.msk [tilespmem:v24+s17+$0x0], $0xffff  }
0x11e: {  	v24 =	vor.u32 v16, v20  }
0x11f: {  	v17 =	vadd.f32 v19, v17;
	v19 =	vld.idx.msk [tilespmem:v22+s17+$0x0], $0xffff  }
.Ltmp1:
0x120: {  	(pc) =	sbr.rel @p0 .LBB2_5-.Ltmp1, $3  }
0x121: {  	v18 =	vadd.f32 v18, v17;
	v17 =	vld.idx.msk [tilespmem:v23+s17+$0x0], $0xffff;
	_ =	sdelay $0x1  }
0x122: {  	v20 =	vadd.f32 v21, v18;
	v18 =	vld.idx.msk [tilespmem:v24+s17+$0x0], $0xffff  }
0x123: {  	v21 =	vmov s28;
	s28 =	sadd.s32 $0x10, s28  }
0x124: {  	v21 =	vshll.u32 v21, $0x7;
	v19 =	vadd.f32 v19, v20  }
0x125: {  	v20 =	vor.u32 v1, v21  }
0x126: {  	v21 =	vor.u32 v0, v20;
	v17 =	vadd.f32 v17, v19;
	_ =	sdelay $0x1  }
0x127: {  	v19 =	vor.u32 v2, v20;
	v17 =	vadd.f32 v18, v17  }
0x128: {  	s26 =	sadd.s32 $0x10, s26  }
0x129: {  	v18 =	vor.u32 v3, v20;
	[tilespmem:s26+$0x0] =	vst v17  }
0x12a: {  	v17 =	vld.idx.msk [tilespmem:v21+s17+$0x0], $0xffff  }
0x12b: {  	v21 =	vor.u32 v4, v20  }
0x12c: {  	v19 =	vld.idx.msk [tilespmem:v19+s17+$0x0], $0xffff  }
0x12d: {  	v22 =	vor.u32 v5, v20  }
0x12e: {  	v18 =	vld.idx.msk [tilespmem:v18+s17+$0x0], $0xffff  }
0x12f: {  	v23 =	vor.u32 v6, v20;
	v17 =	vadd.f32 $0.0e+00, v17  }
0x130: {  	v21 =	vld.idx.msk [tilespmem:v21+s17+$0x0], $0xffff  }
0x131: {  	v24 =	vor.u32 v8, v20;
	v17 =	vadd.f32 v19, v17  }
0x132: {  	v19 =	vld.idx.msk [tilespmem:v22+s17+$0x0], $0xffff  }
0x133: {  	v22 =	vor.u32 v9, v20;
	v17 =	vadd.f32 v18, v17  }
0x134: {  	v18 =	vld.idx.msk [tilespmem:v23+s17+$0x0], $0xffff  }
0x135: {  	v23 =	vor.u32 v7, v20;
	v17 =	vadd.f32 v21, v17  }
0x136: {  	v21 =	vld.idx.msk [tilespmem:v24+s17+$0x0], $0xffff  }
0x137: {  	v24 =	vor.u32 v10, v20;
	v17 =	vadd.f32 v19, v17  }
0x138: {  	v19 =	vld.idx.msk [tilespmem:v22+s17+$0x0], $0xffff  }
0x139: {  	v22 =	vor.u32 v11, v20;
	v17 =	vadd.f32 v18, v17  }
0x13a: {  	v18 =	vld.idx.msk [tilespmem:v23+s17+$0x0], $0xffff  }
0x13b: {  	v23 =	vor.u32 v12, v20;
	v17 =	vadd.f32 v21, v17  }
0x13c: {  	v21 =	vld.idx.msk [tilespmem:v24+s17+$0x0], $0xffff  }
0x13d: {  	v24 =	vor.u32 v13, v20;
	v17 =	vadd.f32 v19, v17  }
0x13e: {  	v19 =	vld.idx.msk [tilespmem:v22+s17+$0x0], $0xffff  }
0x13f: {  	v22 =	vor.u32 v14, v20;
	v17 =	vadd.f32 v18, v17  }
0x140: {  	v18 =	vld.idx.msk [tilespmem:v23+s17+$0x0], $0xffff  }
0x141: {  	v23 =	vor.u32 v15, v20;
	v17 =	vadd.f32 v21, v17  }
0x142: {  	v21 =	vld.idx.msk [tilespmem:v24+s17+$0x0], $0xffff  }
0x143: {  	v20 =	vor.u32 v16, v20;
	v17 =	vadd.f32 v19, v17  }
0x144: {  	v19 =	vld.idx.msk [tilespmem:v22+s17+$0x0], $0xffff  }
0x145: {  	v17 =	vadd.f32 v18, v17  }
0x146: {  	v18 =	vld.idx.msk [tilespmem:v23+s17+$0x0], $0xffff  }
0x147: {  	v17 =	vadd.f32 v21, v17  }
0x148: {  	v20 =	vld.idx.msk [tilespmem:v20+s17+$0x0], $0xffff  }
0x149: {  	v17 =	vadd.f32 v19, v17;
	_ =	sdelay $0x1  }
0x14a: {  	v17 =	vadd.f32 v18, v17;
	_ =	sdelay $0x1  }
0x14b: {  	v17 =	vadd.f32 v20, v17  }
0x14c: {  	p0 =	seq.s32 s24, $0x7C;
	s26 =	sadd.s32 $0x10, s26  }
0x14d: {  	s28 =	simm.s32 @!p0 $0x50;
	s29 =	simm.s32 @!p0 $0x9D00;
	[tilespmem:s26+$0x0] =	vst v17;
	s26 =	sadd.s32 @!p0 $0xA0, s25  }
0x14e: {  	[tilespmem:s29], [sflag:$0x1] =	stream.indirect.gather @!p0 [hbm4b:s0+s28], $0x80, s26, s28, $0xb8;
	[tilespmem:$0x1B380] =	vst v63  }
0x14f: {  	s25 =	sadd.s32 @!p0 $0x4F20, s25;
	s26 =	simm.s32 @!p0 $0xC500  }
0x150: {  	[tilespmem:s26], [sflag:$0x2] =	stream.indirect.gather @!p0 [hbm4b:s0+s28], $0x80, s25, s28, $0xb8;
	[tilespmem:$0x1B380] =	vst v63  }
0x151: {  	_ =	swait.ge [sflag:s18], $0x2800  }
0x152: {  	[sflag:s18] =	ssyncset.done $0x0  }
0x153: {  	[sflag:s18] =	ssyncadd.s32 $0xFFFFD800  }
0x154: {  	_ =	swait.ge [sflag:s19], $0x2800  }
0x155: {  	[sflag:s19] =	ssyncset.done $0x0  }
0x156: {  	s25 =	simm.s32 $0x0;
	[sflag:s19] =	ssyncadd.s32 $0xFFFFD800  }
0x157: {  	v17 =	vld [tilespmem:s25+$0xEE80]  }
0x158: {  	v18 =	vld [tilespmem:s25+$0x11680]  }
0x159: {  	v19 =	vld [tilespmem:s25+$0xEE90]  }
0x15a: {  	v21 =	vld [tilespmem:s25+$0x11690]  }
0x15b: {  	v20 =	vld [tilespmem:s25+$0xEEA0]  }
0x15c: {  	v22 =	vld [tilespmem:s25+$0x116A0]  }
0x15d: {  	v23 =	vld [tilespmem:s25+$0xEEB0]  }
0x15e: {  	v25 =	vld [tilespmem:s25+$0x116B0]  }
0x15f: {  	v24 =	vld [tilespmem:s25+$0xEEC0]  }
0x160: {  	v26 =	vld [tilespmem:s25+$0x116C0]  }
0x161: {  	v27 =	vld [tilespmem:s25+$0xEED0]  }
0x162: {  	v29 =	vld [tilespmem:s25+$0x116D0]  }
0x163: {  	v28 =	vld [tilespmem:s25+$0xEEE0]  }
0x164: {  	v30 =	vld [tilespmem:s25+$0x116E0]  }
0x165: {  	s26 =	simm.s32 $0x0;
	s28 =	simm.s32 $0x800;
	v31 =	vld [tilespmem:s25+$0xEEF0]  }
.LBB2_7:
0x166: {  	p0 =	sne.s32 s28, $0x9800;
	v32 =	vld [tilespmem:s25+$0x116F0]  }
0x167: {  	v33 =	vld [tilespmem:s25+$0xED00]  }
0x168: {  	v17 =	vmul.f32 v18, v17;
	v18 =	vmul.f32 v21, v19;
	v34 =	vld [tilespmem:s25+$0x11500]  }
0x169: {  	v20 =	vmul.f32 v22, v20;
	v21 =	vmul.f32 v25, v23;
	v19 =	vld [tilespmem:s25+$0xED10]  }
0x16a: {  	v23 =	vmul.f32 v26, v24;
	v24 =	vmul.f32 v29, v27;
	v22 =	vld [tilespmem:s25+$0x11510]  }
0x16b: {  	v26 =	vmul.f32 v30, v28;
	v25 =	vld [tilespmem:s25+$0xED20];
	v27 =	vmul.f32 v32, v31  }
0x16c: {  	v17 =	vadd.f32 v18, v17;
	v18 =	vadd.f32 v21, v20;
	v28 =	vld [tilespmem:s25+$0x11520]  }
0x16d: {  	v23 =	vadd.f32 v24, v23;
	v20 =	vmul.f32 v34, v33;
	v21 =	vld [tilespmem:s25+$0xED30];
	v24 =	vadd.f32 v27, v26  }
0x16e: {  	v26 =	vld [tilespmem:s25+$0x11530]  }
0x16f: {  	v17 =	vadd.f32 v18, v17;
	v19 =	vmul.f32 v22, v19;
	v22 =	vld [tilespmem:s25+$0xED40];
	v18 =	vadd.f32 v24, v23  }
0x170: {  	v23 =	vld [tilespmem:s25+$0x11540]  }
0x171: {  	v19 =	vadd.f32 v19, v20;
	v20 =	vmul.f32 v28, v25;
	v24 =	vld [tilespmem:s25+$0xED50];
	v17 =	vadd.f32 v18, v17  }
0x172: {  	v18 =	vld [tilespmem:s25+$0x11550]  }
0x173: {  	v21 =	vmul.f32 v26, v21;
	v25 =	vld [tilespmem:s25+$0xED60];
	[tilespmem:s25+$0x13E80] =	vst v17  }
0x174: {  	v17 =	vld [tilespmem:s25+$0x11560]  }
0x175: {  	v20 =	vadd.f32 v21, v20;
	v21 =	vmul.f32 v23, v22;
	v22 =	vld [tilespmem:s25+$0xED70]  }
0x176: {  	v23 =	vld [tilespmem:s25+$0x11570]  }
0x177: {  	v18 =	vmul.f32 v18, v24;
	v19 =	vadd.f32 v20, v19;
	v20 =	vld [tilespmem:s25+$0xED80]  }
0x178: {  	v24 =	vld [tilespmem:s25+$0x11580]  }
0x179: {  	v18 =	vadd.f32 v18, v21;
	v17 =	vmul.f32 v17, v25;
	v21 =	vld [tilespmem:s25+$0xED90]  }
0x17a: {  	v25 =	vld [tilespmem:s25+$0x11590]  }
0x17b: {  	v22 =	vmul.f32 v23, v22;
	v23 =	vld [tilespmem:s25+$0xEDA0]  }
0x17c: {  	v26 =	vld [tilespmem:s25+$0x115A0]  }
0x17d: {  	v17 =	vadd.f32 v22, v17;
	v20 =	vmul.f32 v24, v20;
	v22 =	vld [tilespmem:s25+$0xEDB0]  }
0x17e: {  	v24 =	vld [tilespmem:s25+$0x115B0]  }
0x17f: {  	v17 =	vadd.f32 v17, v18;
	v18 =	vmul.f32 v25, v21;
	v21 =	vld [tilespmem:s25+$0xEDC0]  }
0x180: {  	v25 =	vld [tilespmem:s25+$0x115C0]  }
0x181: {  	v17 =	vadd.f32 v17, v19;
	v18 =	vadd.f32 v18, v20;
	v19 =	vmul.f32 v26, v23;
	v20 =	vld [tilespmem:s25+$0xEDD0]  }
0x182: {  	v23 =	vld [tilespmem:s25+$0x115D0]  }
0x183: {  	[tilespmem:s25+$0x13D00] =	vst v17;
	v17 =	vmul.f32 v24, v22;
	v22 =	vld [tilespmem:s25+$0xEDE0]  }
0x184: {  	v24 =	vld [tilespmem:s25+$0x115E0]  }
0x185: {  	v17 =	vadd.f32 v17, v19;
	v19 =	vmul.f32 v25, v21;
	v21 =	vld [tilespmem:s25+$0xEDF0]  }
0x186: {  	v25 =	vld [tilespmem:s25+$0x115F0]  }
0x187: {  	v20 =	vmul.f32 v23, v20;
	v17 =	vadd.f32 v17, v18;
	v18 =	vld [tilespmem:s25+$0xEE00]  }
0x188: {  	v23 =	vld [tilespmem:s25+$0x11600]  }
0x189: {  	v19 =	vadd.f32 v20, v19;
	v20 =	vmul.f32 v24, v22;
	v22 =	vld [tilespmem:s25+$0xEE10]  }
0x18a: {  	v24 =	vld [tilespmem:s25+$0x11610]  }
0x18b: {  	v21 =	vmul.f32 v25, v21;
	v25 =	vld [tilespmem:s25+$0xEE20]  }
0x18c: {  	v26 =	vld [tilespmem:s25+$0x11620]  }
0x18d: {  	v20 =	vadd.f32 v21, v20;
	v18 =	vmul.f32 v23, v18;
	v21 =	vld [tilespmem:s25+$0xEE30]  }
0x18e: {  	v23 =	vld [tilespmem:s25+$0x11630]  }
0x18f: {  	v19 =	vadd.f32 v20, v19;
	v20 =	vmul.f32 v24, v22;
	v22 =	vld [tilespmem:s25+$0xEE40]  }
0x190: {  	v24 =	vld [tilespmem:s25+$0x11640]  }
0x191: {  	v17 =	vadd.f32 v19, v17;
	v18 =	vadd.f32 v20, v18;
	v19 =	vmul.f32 v26, v25;
	v20 =	vld [tilespmem:s25+$0xEE50]  }
0x192: {  	v25 =	vld [tilespmem:s25+$0x11650]  }
0x193: {  	[tilespmem:s25+$0x13D80] =	vst v17;
	v17 =	vmul.f32 v23, v21;
	v21 =	vld [tilespmem:s25+$0xEE60]  }
0x194: {  	v23 =	vld [tilespmem:s25+$0x11660]  }
0x195: {  	v19 =	vadd.f32 v17, v19;
	v22 =	vmul.f32 v24, v22;
	v24 =	vld [tilespmem:s25+$0xEE70]  }
0x196: {  	s29 =	sshra.s32 s28, $0x2;
	v26 =	vld [tilespmem:s25+$0x11670]  }
0x197: {  	v17 =	vld [tilespmem:s29+$0xEE80];
	v20 =	vmul.f32 v25, v20;
	v28 =	vadd.f32 v19, v18  }
0x198: {  	v18 =	vld [tilespmem:s29+$0x11680]  }
0x199: {  	v19 =	vld [tilespmem:s29+$0xEE90];
	v27 =	vadd.f32 v20, v22;
	v25 =	vmul.f32 v23, v21  }
0x19a: {  	v21 =	vld [tilespmem:s29+$0x11690]  }
0x19b: {  	v20 =	vld [tilespmem:s29+$0xEEA0];
	v24 =	vmul.f32 v26, v24  }
0x19c: {  	v22 =	vld [tilespmem:s29+$0x116A0]  }
0x19d: {  	v23 =	vld [tilespmem:s29+$0xEEB0];
	v26 =	vadd.f32 v24, v25  }
0x19e: {  	v25 =	vld [tilespmem:s29+$0x116B0]  }
0x19f: {  	v24 =	vld [tilespmem:s29+$0xEEC0];
	v29 =	vadd.f32 v26, v27  }
0x1a0: {  	v26 =	vld [tilespmem:s29+$0x116C0]  }
.Ltmp2:
0x1a1: {  	v27 =	vld [tilespmem:s29+$0xEED0];
	v30 =	vadd.f32 v29, v28;
	(pc) =	sbr.rel @p0 .LBB2_7-.Ltmp2, $4  }
0x1a2: {  	v29 =	vld [tilespmem:s29+$0x116D0]  }
0x1a3: {  	v28 =	vld [tilespmem:s29+$0xEEE0];
	[tilespmem:s25+$0x13E00] =	vst v30;
	s25 =	smov.u32 s29  }
0x1a4: {  	v30 =	vld [tilespmem:s25+$0x116E0]  }
0x1a5: {  	s28 =	sadd.s32 $0x800, s28;
	v31 =	vld [tilespmem:s25+$0xEEF0]  }
0x1a6: {  	v32 =	vld [tilespmem:s25+$0x116F0]  }
0x1a7: {  	v33 =	vld [tilespmem:s25+$0xED00]  }
0x1a8: {  	v34 =	vld [tilespmem:s25+$0x11500]  }
0x1a9: {  	v17 =	vmul.f32 v18, v17;
	v18 =	vmul.f32 v21, v19;
	v19 =	vld [tilespmem:s25+$0xED10]  }
0x1aa: {  	v20 =	vmul.f32 v22, v20;
	v22 =	vld [tilespmem:s25+$0x11510]  }
0x1ab: {  	v55 =	vld [tilespmem:s25+$0xED20]  }
0x1ac: {  	v58 =	vld [tilespmem:s25+$0x11520]  }
0x1ad: {  	v59 =	vld [tilespmem:s25+$0x11530]  }
0x1ae: {  	v60 =	vld [tilespmem:s25+$0xED40]  }
0x1af: {  	v61 =	vld [tilespmem:s25+$0xED60]  }
0x1b0: {  	v62 =	vld [tilespmem:s25+$0xED70]  }
0x1b1: {  	v63 =	vld [tilespmem:s25+$0x11570]  }
0x1b2: {  	v21 =	vmul.f32 v25, v23;
	v36 =	vld [tilespmem:s25+$0xED80]  }
0x1b3: {  	v23 =	vmul.f32 v26, v24;
	v38 =	vld [tilespmem:s25+$0xED90];
	v54 =	vmul.f32 v29, v27  }
0x1b4: {  	v40 =	vld [tilespmem:s25+$0xEDA0];
	v56 =	vmul.f32 v30, v28;
	v57 =	vmul.f32 v32, v31  }
0x1b5: {  	v41 =	vld [tilespmem:s25+$0x115A0];
	v17 =	vadd.f32 v18, v17;
	v18 =	vadd.f32 v21, v20  }
0x1b6: {  	v42 =	vld [tilespmem:s25+$0x115B0];
	v21 =	vadd.f32 v54, v23;
	v23 =	vadd.f32 v57, v56  }
0x1b7: {  	v43 =	vld [tilespmem:s25+$0x115D0]  }
0x1b8: {  	v20 =	vld [tilespmem:s25+$0xED30];
	v17 =	vadd.f32 v18, v17;
	v18 =	vadd.f32 v23, v21  }
0x1b9: {  	v21 =	vld [tilespmem:s25+$0x11540]  }
0x1ba: {  	v23 =	vld [tilespmem:s25+$0xED50];
	v17 =	vadd.f32 v18, v17  }
0x1bb: {  	v18 =	vld [tilespmem:s25+$0x11550]  }
0x1bc: {  	[tilespmem:s25+$0x13E80] =	vst v17;
	v17 =	vld [tilespmem:s25+$0x11560]  }
0x1bd: {  	v44 =	vld [tilespmem:s25+$0x115E0]  }
0x1be: {  	v45 =	vld [tilespmem:s25+$0xEDF0];
	v37 =	vmul.f32 v34, v33;
	v19 =	vmul.f32 v22, v19  }
0x1bf: {  	v46 =	vld [tilespmem:s25+$0x115F0];
	v25 =	vmul.f32 v58, v55;
	v39 =	vmul.f32 v63, v62  }
0x1c0: {  	v47 =	vld [tilespmem:s25+$0xEE00];
	v20 =	vmul.f32 v59, v20;
	v21 =	vmul.f32 v21, v60  }
0x1c1: {  	v48 =	vld [tilespmem:s25+$0x11600];
	v18 =	vmul.f32 v18, v23;
	v17 =	vmul.f32 v17, v61  }
0x1c2: {  	v49 =	vld [tilespmem:s25+$0xEE10];
	v19 =	vadd.f32 v19, v37;
	v20 =	vadd.f32 v20, v25  }
0x1c3: {  	v22 =	vld [tilespmem:s25+$0x11580];
	v18 =	vadd.f32 v18, v21;
	v17 =	vadd.f32 v39, v17  }
0x1c4: {  	v19 =	vadd.f32 v20, v19;
	v20 =	vld [tilespmem:s25+$0x115C0]  }
0x1c5: {  	v23 =	vld [tilespmem:s25+$0x11590];
	v17 =	vadd.f32 v17, v18  }
0x1c6: {  	v21 =	vld [tilespmem:s25+$0xEDB0]  }
0x1c7: {  	v18 =	vld [tilespmem:s25+$0xEDC0];
	v17 =	vadd.f32 v17, v19  }
0x1c8: {  	v19 =	vld [tilespmem:s25+$0xEDD0]  }
0x1c9: {  	[tilespmem:s25+$0x13D00] =	vst v17;
	v17 =	vld [tilespmem:s25+$0xEDE0]  }
0x1ca: {  	v51 =	vld [tilespmem:s25+$0xEE20]  }
0x1cb: {  	v52 =	vld [tilespmem:s25+$0x11630];
	v50 =	vmul.f32 v46, v45;
	v25 =	vmul.f32 v41, v40  }
0x1cc: {  	v53 =	vld [tilespmem:s25+$0x11650];
	v22 =	vmul.f32 v22, v36;
	v23 =	vmul.f32 v23, v38  }
0x1cd: {  	v54 =	vld [tilespmem:s25+$0x11660];
	v21 =	vmul.f32 v42, v21;
	v18 =	vmul.f32 v20, v18  }
0x1ce: {  	v55 =	vld [tilespmem:s25+$0xEE70];
	v19 =	vmul.f32 v43, v19;
	v17 =	vmul.f32 v44, v17  }
0x1cf: {  	v56 =	vld [tilespmem:s25+$0x11670];
	v22 =	vadd.f32 v23, v22;
	v21 =	vadd.f32 v21, v25  }
0x1d0: {  	v23 =	vld [tilespmem:s25+$0x11620];
	v18 =	vadd.f32 v19, v18;
	v17 =	vadd.f32 v50, v17  }
0x1d1: {  	v20 =	vld [tilespmem:s25+$0x11610]  }
0x1d2: {  	v21 =	vadd.f32 v21, v22;
	v22 =	vld [tilespmem:s25+$0x11640];
	v17 =	vadd.f32 v17, v18  }
0x1d3: {  	v19 =	vld [tilespmem:s25+$0xEE30]  }
0x1d4: {  	v18 =	vld [tilespmem:s25+$0xEE40];
	v17 =	vadd.f32 v17, v21  }
0x1d5: {  	v21 =	vld [tilespmem:s25+$0xEE50]  }
0x1d6: {  	[tilespmem:s25+$0x13D80] =	vst v17;
	v17 =	vld [tilespmem:s25+$0xEE60];
	_ =	sdelay $0x1  }
0x1d7: {  	v24 =	vmul.f32 v48, v47;
	v23 =	vmul.f32 v23, v51  }
0x1d8: {  	v20 =	vmul.f32 v20, v49;
	v19 =	vmul.f32 v52, v19  }
0x1d9: {  	v18 =	vmul.f32 v22, v18;
	v22 =	vmul.f32 v56, v55  }
0x1da: {  	v21 =	vmul.f32 v53, v21;
	v17 =	vmul.f32 v54, v17  }
0x1db: {  	v20 =	vadd.f32 v20, v24;
	v19 =	vadd.f32 v19, v23;
	v23 =	vmov s26  }
0x1dc: {  	v18 =	vadd.f32 v21, v18;
	v21 =	vshll.u32 v23, $0x7;
	v17 =	vadd.f32 v22, v17  }
0x1dd: {  	v21 =	vor.u32 v1, v21  }
0x1de: {  	v19 =	vadd.f32 v19, v20;
	v17 =	vadd.f32 v17, v18;
	v18 =	vor.u32 v0, v21;
	_ =	sdelay $0x1  }
0x1df: {  	v17 =	vadd.f32 v17, v19;
	v19 =	vor.u32 v2, v21;
	_ =	sdelay $0x1  }
0x1e0: {  	[tilespmem:s25+$0x13E00] =	vst v17;
	v17 =	vor.u32 v3, v21  }
0x1e1: {  	v18 =	vld.idx.msk [tilespmem:v18+s17+$0x0], $0xffff  }
0x1e2: {  	v20 =	vor.u32 v4, v21  }
0x1e3: {  	v19 =	vld.idx.msk [tilespmem:v19+s17+$0x0], $0xffff  }
0x1e4: {  	v22 =	vor.u32 v5, v21  }
0x1e5: {  	v17 =	vld.idx.msk [tilespmem:v17+s17+$0x0], $0xffff  }
0x1e6: {  	v23 =	vor.u32 v6, v21;
	v18 =	vadd.f32 $0.0e+00, v18  }
0x1e7: {  	v20 =	vld.idx.msk [tilespmem:v20+s17+$0x0], $0xffff  }
0x1e8: {  	v57 =	vor.u32 v8, v21;
	v18 =	vadd.f32 v19, v18  }
0x1e9: {  	v19 =	vld.idx.msk [tilespmem:v22+s17+$0x0], $0xffff  }
0x1ea: {  	v22 =	vor.u32 v9, v21;
	v17 =	vadd.f32 v17, v18  }
0x1eb: {  	v18 =	vld.idx.msk [tilespmem:v23+s17+$0x0], $0xffff  }
0x1ec: {  	v23 =	vor.u32 v7, v21;
	v17 =	vadd.f32 v20, v17  }
0x1ed: {  	v20 =	vld.idx.msk [tilespmem:v57+s17+$0x0], $0xffff  }
0x1ee: {  	v58 =	vor.u32 v10, v21;
	v17 =	vadd.f32 v19, v17  }
0x1ef: {  	v19 =	vld.idx.msk [tilespmem:v22+s17+$0x0], $0xffff  }
0x1f0: {  	v22 =	vor.u32 v11, v21;
	v17 =	vadd.f32 v18, v17  }
0x1f1: {  	v18 =	vld.idx.msk [tilespmem:v23+s17+$0x0], $0xffff  }
0x1f2: {  	v23 =	vor.u32 v12, v21;
	v17 =	vadd.f32 v20, v17  }
0x1f3: {  	v20 =	vld.idx.msk [tilespmem:v58+s17+$0x0], $0xffff  }
0x1f4: {  	v59 =	vor.u32 v13, v21;
	v17 =	vadd.f32 v19, v17  }
0x1f5: {  	v19 =	vld.idx.msk [tilespmem:v22+s17+$0x0], $0xffff  }
0x1f6: {  	v22 =	vor.u32 v14, v21;
	v17 =	vadd.f32 v18, v17  }
0x1f7: {  	v18 =	vld.idx.msk [tilespmem:v23+s17+$0x0], $0xffff  }
0x1f8: {  	v23 =	vor.u32 v15, v21;
	v17 =	vadd.f32 v20, v17  }
0x1f9: {  	v20 =	vld.idx.msk [tilespmem:v59+s17+$0x0], $0xffff  }
0x1fa: {  	v21 =	vor.u32 v16, v21;
	v17 =	vadd.f32 v19, v17  }
0x1fb: {  	v19 =	vld.idx.msk [tilespmem:v22+s17+$0x0], $0xffff  }
0x1fc: {  	v17 =	vadd.f32 v18, v17  }
0x1fd: {  	v18 =	vld.idx.msk [tilespmem:v23+s17+$0x0], $0xffff  }
0x1fe: {  	s30 =	simm.s32 $0x10;
	v17 =	vadd.f32 v20, v17  }
0x1ff: {  	v20 =	vld.idx.msk [tilespmem:v21+s17+$0x0], $0xffff;
	v21 =	vmov s30  }
0x200: {  	v21 =	vshll.u32 v21, $0x7;
	v17 =	vadd.f32 v19, v17  }
0x201: {  	v19 =	vor.u32 v1, v21  }
0x202: {  	v21 =	vor.u32 v0, v19;
	v17 =	vadd.f32 v18, v17;
	_ =	sdelay $0x1  }
0x203: {  	v18 =	vor.u32 v2, v19;
	v17 =	vadd.f32 v20, v17;
	_ =	sdelay $0x1  }
0x204: {  	v20 =	vor.u32 v3, v19;
	[tilespmem:s22+$0x0] =	vst v17  }
0x205: {  	v17 =	vld.idx.msk [tilespmem:v21+s17+$0x0], $0xffff  }
0x206: {  	v21 =	vor.u32 v4, v19  }
0x207: {  	v18 =	vld.idx.msk [tilespmem:v18+s17+$0x0], $0xffff  }
0x208: {  	v22 =	vor.u32 v5, v19  }
0x209: {  	v20 =	vld.idx.msk [tilespmem:v20+s17+$0x0], $0xffff  }
0x20a: {  	v23 =	vor.u32 v6, v19;
	v17 =	vadd.f32 $0.0e+00, v17  }
0x20b: {  	v21 =	vld.idx.msk [tilespmem:v21+s17+$0x0], $0xffff  }
0x20c: {  	v60 =	vor.u32 v8, v19;
	v17 =	vadd.f32 v18, v17  }
0x20d: {  	v18 =	vld.idx.msk [tilespmem:v22+s17+$0x0], $0xffff  }
0x20e: {  	v22 =	vor.u32 v9, v19;
	v17 =	vadd.f32 v20, v17  }
0x20f: {  	v20 =	vld.idx.msk [tilespmem:v23+s17+$0x0], $0xffff  }
0x210: {  	v23 =	vor.u32 v7, v19;
	v17 =	vadd.f32 v21, v17  }
0x211: {  	v21 =	vld.idx.msk [tilespmem:v60+s17+$0x0], $0xffff  }
0x212: {  	v61 =	vor.u32 v10, v19;
	v17 =	vadd.f32 v18, v17  }
0x213: {  	v18 =	vld.idx.msk [tilespmem:v22+s17+$0x0], $0xffff  }
0x214: {  	v22 =	vor.u32 v11, v19;
	v17 =	vadd.f32 v20, v17  }
0x215: {  	v20 =	vld.idx.msk [tilespmem:v23+s17+$0x0], $0xffff  }
0x216: {  	v23 =	vor.u32 v12, v19;
	v17 =	vadd.f32 v21, v17  }
0x217: {  	v21 =	vld.idx.msk [tilespmem:v61+s17+$0x0], $0xffff  }
0x218: {  	v62 =	vor.u32 v13, v19;
	v17 =	vadd.f32 v18, v17  }
0x219: {  	v18 =	vld.idx.msk [tilespmem:v22+s17+$0x0], $0xffff  }
0x21a: {  	v17 =	vadd.f32 v20, v17;
	v20 =	vor.u32 v14, v19  }
0x21b: {  	v22 =	vld.idx.msk [tilespmem:v23+s17+$0x0], $0xffff  }
0x21c: {  	v23 =	vor.u32 v15, v19;
	v17 =	vadd.f32 v21, v17  }
0x21d: {  	v21 =	vld.idx.msk [tilespmem:v62+s17+$0x0], $0xffff  }
0x21e: {  	v63 =	vor.u32 v16, v19;
	v17 =	vadd.f32 v18, v17  }
0x21f: {  	v19 =	vld.idx.msk [tilespmem:v20+s17+$0x0], $0xffff  }
0x220: {  	v18 =	vadd.f32 v22, v17  }
0x221: {  	v17 =	vld.idx.msk [tilespmem:v23+s17+$0x0], $0xffff  }
0x222: {  	s31 =	simm.s32 $0x20;
	v20 =	vadd.f32 v21, v18  }
0x223: {  	s26 =	simm.s32 $0x30;
	s25 =	smov.u32 s22;
	v18 =	vld.idx.msk [tilespmem:v63+s17+$0x0], $0xffff;
	v21 =	vmov s31  }
.LBB2_9:
0x224: {  	p0 =	sne.s32 s26, $0x40;
	v21 =	vshll.u32 v21, $0x7;
	v19 =	vadd.f32 v19, v20  }
0x225: {  	v20 =	vor.u32 v1, v21  }
0x226: {  	v21 =	vor.u32 v0, v20;
	v17 =	vadd.f32 v17, v19;
	_ =	sdelay $0x1  }
0x227: {  	v19 =	vor.u32 v2, v20;
	v17 =	vadd.f32 v18, v17  }
0x228: {  	s25 =	sadd.s32 $0x10, s25  }
0x229: {  	v18 =	vor.u32 v3, v20;
	[tilespmem:s25+$0x0] =	vst v17  }
0x22a: {  	v17 =	vld.idx.msk [tilespmem:v21+s17+$0x0], $0xffff  }
0x22b: {  	v21 =	vor.u32 v4, v20  }
0x22c: {  	v19 =	vld.idx.msk [tilespmem:v19+s17+$0x0], $0xffff  }
0x22d: {  	v22 =	vor.u32 v5, v20  }
0x22e: {  	v18 =	vld.idx.msk [tilespmem:v18+s17+$0x0], $0xffff  }
0x22f: {  	v23 =	vor.u32 v6, v20  }
0x230: {  	v17 =	vadd.f32 $0.0e+00, v17;
	v21 =	vld.idx.msk [tilespmem:v21+s17+$0x0], $0xffff  }
0x231: {  	v24 =	vor.u32 v8, v20  }
0x232: {  	v17 =	vadd.f32 v19, v17;
	v19 =	vld.idx.msk [tilespmem:v22+s17+$0x0], $0xffff  }
0x233: {  	v22 =	vor.u32 v9, v20  }
0x234: {  	v17 =	vadd.f32 v18, v17;
	v18 =	vld.idx.msk [tilespmem:v23+s17+$0x0], $0xffff  }
0x235: {  	v23 =	vor.u32 v7, v20  }
0x236: {  	v17 =	vadd.f32 v21, v17;
	v21 =	vld.idx.msk [tilespmem:v24+s17+$0x0], $0xffff  }
0x237: {  	v24 =	vor.u32 v10, v20  }
0x238: {  	v17 =	vadd.f32 v19, v17;
	v19 =	vld.idx.msk [tilespmem:v22+s17+$0x0], $0xffff  }
0x239: {  	v22 =	vor.u32 v11, v20  }
0x23a: {  	v17 =	vadd.f32 v18, v17;
	v18 =	vld.idx.msk [tilespmem:v23+s17+$0x0], $0xffff  }
0x23b: {  	v23 =	vor.u32 v12, v20  }
0x23c: {  	v17 =	vadd.f32 v21, v17;
	v21 =	vld.idx.msk [tilespmem:v24+s17+$0x0], $0xffff  }
0x23d: {  	v24 =	vor.u32 v13, v20  }
0x23e: {  	v17 =	vadd.f32 v19, v17;
	v19 =	vld.idx.msk [tilespmem:v22+s17+$0x0], $0xffff  }
0x23f: {  	v22 =	vor.u32 v14, v20  }
0x240: {  	v17 =	vadd.f32 v18, v17;
	v18 =	vld.idx.msk [tilespmem:v23+s17+$0x0], $0xffff  }
0x241: {  	v23 =	vor.u32 v15, v20  }
0x242: {  	v17 =	vadd.f32 v21, v17;
	v21 =	vld.idx.msk [tilespmem:v24+s17+$0x0], $0xffff  }
0x243: {  	v24 =	vor.u32 v16, v20  }
0x244: {  	v17 =	vadd.f32 v19, v17;
	v19 =	vld.idx.msk [tilespmem:v22+s17+$0x0], $0xffff  }
.Ltmp3:
0x245: {  	(pc) =	sbr.rel @p0 .LBB2_9-.Ltmp3, $3  }
0x246: {  	v18 =	vadd.f32 v18, v17;
	v17 =	vld.idx.msk [tilespmem:v23+s17+$0x0], $0xffff;
	_ =	sdelay $0x1  }
0x247: {  	v20 =	vadd.f32 v21, v18;
	v18 =	vld.idx.msk [tilespmem:v24+s17+$0x0], $0xffff  }
0x248: {  	v21 =	vmov s26;
	s26 =	sadd.s32 $0x10, s26  }
0x249: {  	v21 =	vshll.u32 v21, $0x7;
	v19 =	vadd.f32 v19, v20  }
0x24a: {  	v51 =	vor.u32 v1, v21  }
0x24b: {  	v21 =	vor.u32 v0, v51;
	v17 =	vadd.f32 v17, v19;
	_ =	sdelay $0x1  }
0x24c: {  	v19 =	vor.u32 v2, v51;
	v17 =	vadd.f32 v18, v17  }
0x24d: {  	s25 =	sadd.s32 $0x10, s25  }
0x24e: {  	v18 =	vor.u32 v3, v51;
	[tilespmem:s25+$0x0] =	vst v17  }
0x24f: {  	v17 =	vld.idx.msk [tilespmem:v21+s17+$0x0], $0xffff  }
0x250: {  	v52 =	vor.u32 v4, v51  }
0x251: {  	v19 =	vld.idx.msk [tilespmem:v19+s17+$0x0], $0xffff  }
0x252: {  	v22 =	vor.u32 v5, v51  }
0x253: {  	v18 =	vld.idx.msk [tilespmem:v18+s17+$0x0], $0xffff  }
0x254: {  	v23 =	vor.u32 v6, v51;
	v17 =	vadd.f32 $0.0e+00, v17  }
0x255: {  	v21 =	vld.idx.msk [tilespmem:v52+s17+$0x0], $0xffff  }
0x256: {  	v24 =	vor.u32 v8, v51;
	v17 =	vadd.f32 v19, v17  }
0x257: {  	v19 =	vld.idx.msk [tilespmem:v22+s17+$0x0], $0xffff  }
0x258: {  	v53 =	vor.u32 v9, v51;
	v17 =	vadd.f32 v18, v17  }
0x259: {  	v18 =	vld.idx.msk [tilespmem:v23+s17+$0x0], $0xffff  }
0x25a: {  	v54 =	vor.u32 v7, v51;
	v17 =	vadd.f32 v21, v17  }
0x25b: {  	v55 =	vld.idx.msk [tilespmem:v24+s17+$0x0], $0xffff  }
0x25c: {  	v56 =	vor.u32 v10, v51;
	v17 =	vadd.f32 v19, v17  }
0x25d: {  	v19 =	vld.idx.msk [tilespmem:v53+s17+$0x0], $0xffff  }
0x25e: {  	v57 =	vor.u32 v11, v51;
	v17 =	vadd.f32 v18, v17  }
0x25f: {  	v18 =	vld.idx.msk [tilespmem:v54+s17+$0x0], $0xffff  }
0x260: {  	v58 =	vor.u32 v12, v51;
	v17 =	vadd.f32 v55, v17  }
0x261: {  	v59 =	vld.idx.msk [tilespmem:v56+s17+$0x0], $0xffff  }
0x262: {  	v60 =	vor.u32 v13, v51;
	v17 =	vadd.f32 v19, v17  }
0x263: {  	v19 =	vld.idx.msk [tilespmem:v57+s17+$0x0], $0xffff  }
0x264: {  	v61 =	vor.u32 v14, v51;
	v17 =	vadd.f32 v18, v17  }
0x265: {  	v18 =	vld.idx.msk [tilespmem:v58+s17+$0x0], $0xffff  }
0x266: {  	v62 =	vor.u32 v15, v51;
	v17 =	vadd.f32 v59, v17  }
0x267: {  	v63 =	vld.idx.msk [tilespmem:v60+s17+$0x0], $0xffff  }
0x268: {  	v20 =	vor.u32 v16, v51;
	v17 =	vadd.f32 v19, v17  }
0x269: {  	v19 =	vld.idx.msk [tilespmem:v61+s17+$0x0], $0xffff  }
0x26a: {  	v17 =	vadd.f32 v18, v17  }
0x26b: {  	v18 =	vld.idx.msk [tilespmem:v62+s17+$0x0], $0xffff  }
0x26c: {  	v17 =	vadd.f32 v63, v17  }
0x26d: {  	v20 =	vld.idx.msk [tilespmem:v20+s17+$0x0], $0xffff  }
0x26e: {  	s24 =	sadd.s32 $0x1, s24;
	v17 =	vadd.f32 v19, v17  }
0x26f: {  	p0 =	sne.s32 s24, $0x7D  }
.Ltmp4:
0x270: {  	v17 =	vadd.f32 v18, v17;
	(pc) =	sbr.rel @p0 .LBB2_2-.Ltmp4, $4  }
0x271: {  	_ = 	snop  }
0x272: {  	v17 =	vadd.f32 v20, v17  }
0x273: {  	s25 =	sadd.s32 $0x10, s25  }
0x274: {  	s23 =	sadd.s32 $0xA0, s23;
	s22 =	sadd.s32 $0xA0, s22;
	[tilespmem:s25+$0x0] =	vst v17  }
0x275: {  	s21 =	sadd.s32 $0x1, s21  }
0x276: {  	p0 =	sne.s32 s21, s7  }
.Ltmp5:
0x277: {  	_ = 	snop;
	(pc) =	sbr.rel @p0 .LBB2_1-.Ltmp5, $4  }
0x278: {  	[hbm4b:s6+s3] =	stream.linear.scatter [tilespmem:s20], [sflag:$0x5], $0x4E20, $0x38;
	[tilespmem:$0x1B380] =	vst v63  }
0x279: {  	_ =	swait.ge [sflag:s8], $0x4E20  }
0x27a: {  	[sflag:s8] =	ssyncset.done $0x0  }
0x27b: {  	[sflag:s8] =	ssyncadd.s32 $0xFFFFB1E0  }
0x27c: {  	_ =	sfence.sel $0x180000  }
0x27d: {  	[bflag:$0x0] =	sbarrier.arrive $0xFFFF  }
0x27e: {  	p0 =	sne.s32 s1, $0x0;
	_ =	strace $0x90000047  }
0x27f: {  	s0 =	sadd.s32 @!p0 $0x100000, s2;
	[bflag:$0x2] =	sbarrier.arrive $0xFFFF  }
0x280: {  	[sflag:s0] =	ssyncadd.tile.s32 @!p0 $0x1;
	_ =	shalt  }
.Lfunc_end2:
_tile_overlayer_lowered:
.L_overlay_start_2:
0x281: {  	(tag) =	ssettag $0x2  }
0x282: {  	s0 =	rddreg [dreg:$0x0];
	s2 =	stileid.u32  }
0x283: {  	s1 =	rddreg [dreg:$0x1];
	p0 =	sne.s32 s2, $0x0  }
0x284: {  	s3 =	rddreg [dreg:$0x2];
	[bflag:$0x3] =	sbarrier.arrive $0xFFFF;
	s2 =	simm.s32 @!p0 $0x1C05  }
0x285: {  	[timem:s3], [sflag:s2] =	dma.local @!p0 [hbm:s0], s1  }
0x286: {  	s0 =	simm.s32 @!p0 $0x5  }
0x287: {  	_ =	swait.ge @!p0 [sflag:s0], s1  }
0x288: {  	s1 =	ssub.s32 @!p0 $0x0, s1;
	[sflag:s0] =	ssyncset.done @!p0 $0x0  }
0x289: {  	[sflag:s0] =	ssyncadd.s32 @!p0 s1  }
0x28a: {  	[bflag:$0x3] =	sbarrier.arrive $0xFFFF  }
0x28b: {  	_ =	shalt  }

</sc_bundles>
